<compile_context>
chip_gen: v7x
topology: tpu7x:2x2x1
jax: 0.10.2.dev20260603
libtpu: 0.0.44.dev20260713+nightly
codegen_flags: <defaults>
</compile_context>

<pallas_src>
import functools

import jax
import jax.numpy as jnp
from jax import lax
from jax.experimental import pallas as pl
from jax.experimental.pallas import tpu as pltpu
from jax.experimental.pallas import tpu_sc as plsc

N = 10000
D = 128
HD = D // 2
E = 320000

NC = 2
NS = 16
CHUNK = 128
T = 160
E_PAD = NS * T * CHUNK
N_PAD = 10240
RPT = N_PAD // NS
ZR = 128


NBUF = 4
IB = 32


LT_ROWS = N - (NS - 1) * RPT


def _spmm_body(z_hbm, src_hbm, dst_hbm, b_hbm, out_hbm,
               src_v, dst_v, rows, bias_v, ztab, acc, gsem, ssem):
    c = lax.axis_index("c")
    s = lax.axis_index("s")

    @pl.when(s < NS - 1)
    def _():
        pltpu.async_copy(z_hbm.at[pl.ds(s * RPT, RPT), pl.ds(c * HD, HD)],
                         ztab.at[pl.ds(s * RPT, RPT)], gsem[0])

    @pl.when(s == NS - 1)
    def _():
        pltpu.async_copy(
            z_hbm.at[pl.ds((NS - 1) * RPT, LT_ROWS), pl.ds(c * HD, HD)],
            ztab.at[pl.ds((NS - 1) * RPT, LT_ROWS)], gsem[0])

    pltpu.sync_copy(b_hbm.at[c], bias_v)
    bvals = [bias_v[pl.ds(k * 16, 16)] for k in range(HD // 16)]

    @pl.loop(0, ZR)
    def _bias_row(r):
        for k in range(HD // 16):
            rows[0][r, pl.ds(k * 16, 16)] = bvals[k]

    for k in range(RPT // ZR):
        pltpu.sync_copy(rows[0], acc.at[pl.ds(s * RPT + k * ZR, ZR)])

    @pl.when(s < NS - 1)
    def _():
        pltpu.make_async_copy(
            z_hbm.at[pl.ds(s * RPT, RPT), pl.ds(c * HD, HD)],
            ztab.at[pl.ds(s * RPT, RPT)], gsem[0]).wait()

    @pl.when(s == NS - 1)
    def _():
        pltpu.make_async_copy(
            z_hbm.at[pl.ds((NS - 1) * RPT, LT_ROWS), pl.ds(c * HD, HD)],
            ztab.at[pl.ds((NS - 1) * RPT, LT_ROWS)], gsem[0]).wait()

    plsc.subcore_barrier()

    @pl.loop(0, T // IB)
    def _blk(blk):
        pltpu.sync_copy(src_hbm.at[pl.ds(s * T + blk * IB, IB)], src_v)
        pltpu.sync_copy(dst_hbm.at[pl.ds(s * T + blk * IB, IB)], dst_v)

        for b in range(NBUF):
            pltpu.async_copy(ztab.at[src_v.at[b]], rows[b], gsem[b])

        @pl.loop(0, IB, step=NBUF)
        def _chunk(j):
            for b in range(NBUF):
                pltpu.make_async_copy(ztab.at[src_v.at[j + b]],
                                      rows[b], gsem[b]).wait()
                pltpu.async_copy(rows[b], acc.at[dst_v.at[j + b]],
                                 ssem[b], add=True)
            for b in range(NBUF):
                pltpu.make_async_copy(rows[b], acc.at[dst_v.at[j + b]],
                                      ssem[b]).wait()

                @pl.when(j + NBUF + b < IB)
                def _():
                    pltpu.async_copy(ztab.at[src_v.at[j + NBUF + b]],
                                     rows[b], gsem[b])

    plsc.subcore_barrier()

    @pl.when(s < NS - 1)
    def _():
        pltpu.sync_copy(acc.at[pl.ds(s * RPT, RPT)],
                        out_hbm.at[pl.ds(s * RPT, RPT), pl.ds(c * HD, HD)])

    @pl.when(s == NS - 1)
    def _():
        pltpu.sync_copy(
            acc.at[pl.ds((NS - 1) * RPT, LT_ROWS)],
            out_hbm.at[pl.ds((NS - 1) * RPT, LT_ROWS), pl.ds(c * HD, HD)])


_spmm = functools.partial(
    pl.kernel,
    out_type=jax.ShapeDtypeStruct((N, D), jnp.float32),
    mesh=plsc.VectorSubcoreMesh(core_axis_name="c", subcore_axis_name="s",
                                num_cores=NC, num_subcores=NS),
    compiler_params=pltpu.CompilerParams(use_tc_tiling_on_sc=False),
    scratch_types=[
        pltpu.VMEM((IB, CHUNK), jnp.int32),
        pltpu.VMEM((IB, CHUNK), jnp.int32),
        tuple(pltpu.VMEM((CHUNK, HD), jnp.float32)
              for _ in range(NBUF)),
        pltpu.VMEM((HD,), jnp.float32),
        pltpu.VMEM_SHARED((N_PAD, HD), jnp.float32),
        pltpu.VMEM_SHARED((N_PAD, HD), jnp.float32),
        tuple(pltpu.SemaphoreType.DMA for _ in range(NBUF)),
        tuple(pltpu.SemaphoreType.DMA for _ in range(NBUF)),
    ],
)(_spmm_body)


BR = 1000


def _dense_body(p_ref, w1_ref, b_ref, w2_ref, o_ref):
    t = jnp.dot(p_ref[...], w1_ref[...],
                preferred_element_type=jnp.float32) + b_ref[...]
    t = jnp.maximum(t, 0.0)
    o_ref[...] = jnp.dot(t, w2_ref[...], preferred_element_type=jnp.float32)


_dense = pl.pallas_call(
    _dense_body,
    grid=(N // BR,),
    in_specs=[
        pl.BlockSpec((BR, D), lambda i: (i, 0)),
        pl.BlockSpec((D, D), lambda i: (0, 0)),
        pl.BlockSpec((1, D), lambda i: (0, 0)),
        pl.BlockSpec((D, D), lambda i: (0, 0)),
    ],
    out_specs=pl.BlockSpec((BR, D), lambda i: (i, 0)),
    out_shape=jax.ShapeDtypeStruct((N, D), jnp.float32),
)


def kernel(x, edge_index, W1, b1, W2, b2):
    src = edge_index[0]
    dst = edge_index[1]
    pad = E_PAD - E
    src_i = jnp.concatenate(
        [src, jnp.zeros((pad,), jnp.int32)]).reshape(NS * T, CHUNK)
    dst_i = jnp.concatenate(
        [dst, jnp.full((pad,), N, jnp.int32)]).reshape(NS * T, CHUNK)
    zb = jnp.zeros((NC, HD), jnp.float32)
    b1r = b1.reshape(1, D)
    b2s = b2.reshape(NC, HD)

    ax = _spmm(x, src_i, dst_i, zb)
    z2 = _dense(ax, W1, b1r, W2)
    return _spmm(z2, src_i, dst_i, b2s)

# --- scband reference (transcript-rebuilt; emitter-appended) ---
"""Pipeline reference for scband-gcn-197568496077 (READ-ONLY COPY).

The authoritative reference and input builder live on the scoring server;
editing this copy changes nothing except your own understanding.
"""

import jax, jax.numpy as jnp
import numpy as np

N = 10000
E = 320000
D_IN = 128
D_HID = 128
D_OUT = 128


def setup_inputs(seed: int = 0) -> dict:
    key = jax.random.key(seed)
    k1, k2, k3, k4, k5, k6 = jax.random.split(key, 6)
    x = jax.random.normal(k1, (N, D_IN), dtype=jnp.float32)
    edge_index = jax.random.randint(k2, (2, E), 0, N, dtype=jnp.int32)
    # GCNConv params: lin weight (no bias in lin) + separate bias term
    W1 = jax.random.normal(k3, (D_IN, D_HID), dtype=jnp.float32) * (1.0 / np.sqrt(D_IN))
    b1 = jnp.zeros((D_HID,), dtype=jnp.float32)
    W2 = jax.random.normal(k4, (D_HID, D_OUT), dtype=jnp.float32) * (1.0 / np.sqrt(D_HID))
    b2 = jnp.zeros((D_OUT,), dtype=jnp.float32)
    return {"x": x, "edge_index": edge_index, "W1": W1, "b1": b1, "W2": W2, "b2": b2}


def _gcn_conv(x, edge_index, W, b):
    # normalize=False, add_self_loops=False -> plain sum aggregation of transformed
    # source-node features onto destination nodes (PyG source_to_target flow).
    h = x @ W
    src = edge_index[0]
    dst = edge_index[1]
    msg = jnp.take(h, src, axis=0)
    out = jax.ops.segment_sum(msg, dst, num_segments=x.shape[0])
    return out + b


def reference(x, edge_index, W1, b1, W2, b2):
    h = _gcn_conv(x, edge_index, W1, b1)
    h = jax.nn.relu(h)
    # dropout is identity in eval mode
    out = _gcn_conv(h, edge_index, W2, b2)
    return out

if __name__ == "__main__":
    import jax
    _d = setup_inputs()
    print(jax.jit(kernel)(*tuple(_d.values())))

</pallas_src>

<mosaic_0001>
#map = affine_map<(d0, d1) -> (0, 0)>
module attributes {stable_mosaic.version = 14 : i64} {
  func.func @_spmm_body(%arg0: i32, %arg1: i32, %arg2: memref<10000x128xf32, #tpu.memory_space<hbm>>, %arg3: memref<2560x128xi32, #tpu.memory_space<hbm>>, %arg4: memref<2560x128xi32, #tpu.memory_space<hbm>>, %arg5: memref<2x64xf32, #tpu.memory_space<hbm>>, %arg6: memref<10000x128xf32, #tpu.memory_space<hbm>>, %arg7: memref<32x128xi32, #tpu.memory_space<vmem>>, %arg8: memref<32x128xi32, #tpu.memory_space<vmem>>, %arg9: memref<128x64xf32, #tpu.memory_space<vmem>>, %arg10: memref<128x64xf32, #tpu.memory_space<vmem>>, %arg11: memref<128x64xf32, #tpu.memory_space<vmem>>, %arg12: memref<128x64xf32, #tpu.memory_space<vmem>>, %arg13: memref<64xf32, #tpu.memory_space<vmem>>, %arg14: memref<10240x64xf32, #tpu.memory_space<vmem_shared>>, %arg15: memref<10240x64xf32, #tpu.memory_space<vmem_shared>>, %arg16: memref<!tpu.dma_semaphore, #tpu.memory_space<semaphore_mem>>, %arg17: memref<!tpu.dma_semaphore, #tpu.memory_space<semaphore_mem>>, %arg18: memref<!tpu.dma_semaphore, #tpu.memory_space<semaphore_mem>>, %arg19: memref<!tpu.dma_semaphore, #tpu.memory_space<semaphore_mem>>, %arg20: memref<!tpu.dma_semaphore, #tpu.memory_space<semaphore_mem>>, %arg21: memref<!tpu.dma_semaphore, #tpu.memory_space<semaphore_mem>>, %arg22: memref<!tpu.dma_semaphore, #tpu.memory_space<semaphore_mem>>, %arg23: memref<!tpu.dma_semaphore, #tpu.memory_space<semaphore_mem>>) attributes {dimension_semantics = [#tpu.dimension_semantics<core_parallel>, #tpu.dimension_semantics<subcore_parallel>], iteration_bounds = array<i64: 2, 16>, scalar_prefetch = 0 : i64, scratch_operands = 17 : i64, tpu.core_type = #tpu.core_type<sc_vector_subcore>, window_params = [{transform_indices = #map}, {transform_indices = #map}, {transform_indices = #map}, {transform_indices = #map}, {transform_indices = #map}]} {
    %lt3A = arith.constant 15 : i32
    %lt3A_0 = arith.cmpi slt, %arg1, %lt3A : i32
    %convert_element_type3A = arith.extui %lt3A_0 : i1 to i32
    %cond3A = arith.constant 0 : i32
    %cond3A_1 = arith.cmpi ne, %convert_element_type3A, %cond3A : i32
    scf.if %cond3A_1 {
      %mul3A_65 = arith.constant 640 : i32
      %mul3A_66 = arith.muli %arg1, %mul3A_65 : i32
      %mul3A_67 = arith.constant 64 : i32
      %mul3A_68 = arith.muli %arg0, %mul3A_67 : i32
      %mul3A_69 = arith.constant 640 : i32
      %mul3A_70 = arith.muli %arg1, %mul3A_69 : i32
      %dma_start3A = arith.constant 0 : i32
      %dma_start3A_71 = tpu.memref_slice %arg14[%mul3A_70, %dma_start3A] : memref<10240x64xf32, #tpu.memory_space<vmem_shared>> -> memref<640x64xf32, #tpu.memory_space<vmem_shared>>
      %dma_start3A_72 = tpu.memref_slice %arg2[%mul3A_66, %mul3A_68] : memref<10000x128xf32, #tpu.memory_space<hbm>> -> memref<640x64xf32, #tpu.memory_space<hbm>>
      tpu.enqueue_dma source(%dma_start3A_72 : memref<640x64xf32, #tpu.memory_space<hbm>>) target(%dma_start3A_71 : memref<640x64xf32, #tpu.memory_space<vmem_shared>>) target_semaphore(%arg16 : memref<!tpu.dma_semaphore, #tpu.memory_space<semaphore_mem>>)
    } else {
    }
    %eq3A = arith.constant 15 : i32
    %eq3A_2 = arith.cmpi eq, %arg1, %eq3A : i32
    %convert_element_type3A_3 = arith.extui %eq3A_2 : i1 to i32
    %cond3A_4 = arith.constant 0 : i32
    %cond3A_5 = arith.cmpi ne, %convert_element_type3A_3, %cond3A_4 : i32
    scf.if %cond3A_5 {
      %mul3A_65 = arith.constant 64 : i32
      %mul3A_66 = arith.muli %arg0, %mul3A_65 : i32
      %dma_start3A = arith.constant 9600 : i32
      %dma_start3A_67 = arith.constant 0 : i32
      %dma_start3A_68 = tpu.memref_slice %arg14[%dma_start3A, %dma_start3A_67] : memref<10240x64xf32, #tpu.memory_space<vmem_shared>> -> memref<400x64xf32, #tpu.memory_space<vmem_shared>>
      %dma_start3A_69 = arith.constant 9600 : i32
      %dma_start3A_70 = tpu.memref_slice %arg2[%dma_start3A_69, %mul3A_66] : memref<10000x128xf32, #tpu.memory_space<hbm>> -> memref<400x64xf32, #tpu.memory_space<hbm>>
      tpu.enqueue_dma source(%dma_start3A_70 : memref<400x64xf32, #tpu.memory_space<hbm>>) target(%dma_start3A_68 : memref<400x64xf32, #tpu.memory_space<vmem_shared>>) target_semaphore(%arg16 : memref<!tpu.dma_semaphore, #tpu.memory_space<semaphore_mem>>)
    } else {
    }
    "tpu.region"() ({
      %run_scoped3A = tpu.sem_alloc : memref<!tpu.dma_semaphore, #tpu.memory_space<semaphore_mem>>
      %dma_start3A = arith.constant 0 : i32
      %dma_start3A_65 = tpu.memref_slice %arg5[%arg0, %dma_start3A] : memref<2x64xf32, #tpu.memory_space<hbm>> -> memref<1x64xf32, #tpu.memory_space<hbm>>
      %dma_start3A_66 = tpu.memref_squeeze %dma_start3A_65 : memref<1x64xf32, #tpu.memory_space<hbm>> -> memref<64xf32, #tpu.memory_space<hbm>>
      %dma_start3A_67 = arith.constant 0 : i32
      %dma_start3A_68 = tpu.memref_slice %arg5[%arg0, %dma_start3A_67] : memref<2x64xf32, #tpu.memory_space<hbm>> -> memref<1x64xf32, #tpu.memory_space<hbm>>
      %dma_start3A_69 = tpu.memref_squeeze %dma_start3A_68 : memref<1x64xf32, #tpu.memory_space<hbm>> -> memref<64xf32, #tpu.memory_space<hbm>>
      tpu.enqueue_dma source(%dma_start3A_69 : memref<64xf32, #tpu.memory_space<hbm>>) target(%arg13 : memref<64xf32, #tpu.memory_space<vmem>>) target_semaphore(%run_scoped3A : memref<!tpu.dma_semaphore, #tpu.memory_space<semaphore_mem>>)
      %dma_wait3A = arith.constant 0 : i32
      %dma_wait3A_70 = tpu.memref_slice %arg5[%arg0, %dma_wait3A] : memref<2x64xf32, #tpu.memory_space<hbm>> -> memref<1x64xf32, #tpu.memory_space<hbm>>
      %dma_wait3A_71 = tpu.memref_squeeze %dma_wait3A_70 : memref<1x64xf32, #tpu.memory_space<hbm>> -> memref<64xf32, #tpu.memory_space<hbm>>
      %dma_wait3A_72 = arith.constant 0 : i32
      %dma_wait3A_73 = tpu.memref_slice %arg5[%arg0, %dma_wait3A_72] : memref<2x64xf32, #tpu.memory_space<hbm>> -> memref<1x64xf32, #tpu.memory_space<hbm>>
      %dma_wait3A_74 = tpu.memref_squeeze %dma_wait3A_73 : memref<1x64xf32, #tpu.memory_space<hbm>> -> memref<64xf32, #tpu.memory_space<hbm>>
      tpu.wait_dma2 semaphore(%run_scoped3A : memref<!tpu.dma_semaphore, #tpu.memory_space<semaphore_mem>>) src(%dma_wait3A_74 : memref<64xf32, #tpu.memory_space<hbm>>) dst(%arg13 : memref<64xf32, #tpu.memory_space<vmem>>)
      tpu.yield
    }) : () -> ()
    %get3A = arith.constant 0 : index
    %get3A_6 = tpu.vector_load %arg13[%get3A] {strides = array<i32>} : memref<64xf32, #tpu.memory_space<vmem>>, vector<16xf32>,
    %get3A_7 = vector.shape_cast %get3A_6 : vector<16xf32> to vector<16xf32>
    %get3A_8 = arith.constant 16 : index
    %get3A_9 = tpu.vector_load %arg13[%get3A_8] {strides = array<i32>} : memref<64xf32, #tpu.memory_space<vmem>>, vector<16xf32>,
    %get3A_10 = vector.shape_cast %get3A_9 : vector<16xf32> to vector<16xf32>
    %get3A_11 = arith.constant 32 : index
    %get3A_12 = tpu.vector_load %arg13[%get3A_11] {strides = array<i32>} : memref<64xf32, #tpu.memory_space<vmem>>, vector<16xf32>,
    %get3A_13 = vector.shape_cast %get3A_12 : vector<16xf32> to vector<16xf32>
    %get3A_14 = arith.constant 48 : index
    %get3A_15 = tpu.vector_load %arg13[%get3A_14] {strides = array<i32>} : memref<64xf32, #tpu.memory_space<vmem>>, vector<16xf32>,
    %get3A_16 = vector.shape_cast %get3A_15 : vector<16xf32> to vector<16xf32>
    %scan3A = arith.constant 0 : i32
    %scan3A_17 = arith.constant 128 : i32
    %scan3A_18 = arith.addi %scan3A, %scan3A_17 : i32
    %scan3A_19 = arith.constant 1 : i32
    scf.for %scan3A_65 = %scan3A to %scan3A_18 step %scan3A_19  : i32 {
      %mul3A_66 = arith.constant 1 : i32
      %mul3A_67 = arith.muli %scan3A_65, %mul3A_66 : i32
      %add3A_68 = arith.constant 0 : i32
      %add3A_69 = arith.addi %add3A_68, %mul3A_67 : i32
      %swap3A = arith.index_cast %add3A_69 : i32 to index
      %swap3A_70 = arith.constant 0 : index
      %swap3A_71 = tpu.vector_load %arg9[%swap3A, %swap3A_70] {strides = array<i32>} : memref<128x64xf32, #tpu.memory_space<vmem>>, vector<1x16xf32>,
      %swap3A_72 = vector.shape_cast %swap3A_71 : vector<1x16xf32> to vector<16xf32>
      %swap3A_73 = vector.shape_cast %get3A_7 : vector<16xf32> to vector<1x16xf32>
      tpu.vector_store %arg9[%swap3A, %swap3A_70], %swap3A_73 {strides = array<i32>} : memref<128x64xf32, #tpu.memory_space<vmem>>, vector<1x16xf32>,
      %swap3A_74 = arith.index_cast %add3A_69 : i32 to index
      %swap3A_75 = arith.constant 16 : index
      %swap3A_76 = tpu.vector_load %arg9[%swap3A_74, %swap3A_75] {strides = array<i32>} : memref<128x64xf32, #tpu.memory_space<vmem>>, vector<1x16xf32>,
      %swap3A_77 = vector.shape_cast %swap3A_76 : vector<1x16xf32> to vector<16xf32>
      %swap3A_78 = vector.shape_cast %get3A_10 : vector<16xf32> to vector<1x16xf32>
      tpu.vector_store %arg9[%swap3A_74, %swap3A_75], %swap3A_78 {strides = array<i32>} : memref<128x64xf32, #tpu.memory_space<vmem>>, vector<1x16xf32>,
      %swap3A_79 = arith.index_cast %add3A_69 : i32 to index
      %swap3A_80 = arith.constant 32 : index
      %swap3A_81 = tpu.vector_load %arg9[%swap3A_79, %swap3A_80] {strides = array<i32>} : memref<128x64xf32, #tpu.memory_space<vmem>>, vector<1x16xf32>,
      %swap3A_82 = vector.shape_cast %swap3A_81 : vector<1x16xf32> to vector<16xf32>
      %swap3A_83 = vector.shape_cast %get3A_13 : vector<16xf32> to vector<1x16xf32>
      tpu.vector_store %arg9[%swap3A_79, %swap3A_80], %swap3A_83 {strides = array<i32>} : memref<128x64xf32, #tpu.memory_space<vmem>>, vector<1x16xf32>,
      %swap3A_84 = arith.index_cast %add3A_69 : i32 to index
      %swap3A_85 = arith.constant 48 : index
      %swap3A_86 = tpu.vector_load %arg9[%swap3A_84, %swap3A_85] {strides = array<i32>} : memref<128x64xf32, #tpu.memory_space<vmem>>, vector<1x16xf32>,
      %swap3A_87 = vector.shape_cast %swap3A_86 : vector<1x16xf32> to vector<16xf32>
      %swap3A_88 = vector.shape_cast %get3A_16 : vector<16xf32> to vector<1x16xf32>
      tpu.vector_store %arg9[%swap3A_84, %swap3A_85], %swap3A_88 {strides = array<i32>} : memref<128x64xf32, #tpu.memory_space<vmem>>, vector<1x16xf32>,
    }
    %scan3A_20 = arith.constant 128 : i32
    %mul3A = arith.constant 640 : i32
    %mul3A_21 = arith.muli %arg1, %mul3A : i32
    %add3A = arith.constant 0 : i32
    %add3A_22 = arith.addi %mul3A_21, %add3A : i32
    "tpu.region"() ({
      %run_scoped3A = tpu.sem_alloc : memref<!tpu.dma_semaphore, #tpu.memory_space<semaphore_mem>>
      %dma_start3A = arith.constant 0 : i32
      %dma_start3A_65 = tpu.memref_slice %arg15[%add3A_22, %dma_start3A] : memref<10240x64xf32, #tpu.memory_space<vmem_shared>> -> memref<128x64xf32, #tpu.memory_space<vmem_shared>>
      %dma_start3A_66 = arith.constant 0 : i32
      %dma_start3A_67 = tpu.memref_slice %arg15[%add3A_22, %dma_start3A_66] : memref<10240x64xf32, #tpu.memory_space<vmem_shared>> -> memref<128x64xf32, #tpu.memory_space<vmem_shared>>
      tpu.enqueue_dma source(%arg9 : memref<128x64xf32, #tpu.memory_space<vmem>>) target(%dma_start3A_67 : memref<128x64xf32, #tpu.memory_space<vmem_shared>>) target_semaphore(%run_scoped3A : memref<!tpu.dma_semaphore, #tpu.memory_space<semaphore_mem>>)
      %dma_wait3A = arith.constant 0 : i32
      %dma_wait3A_68 = tpu.memref_slice %arg15[%add3A_22, %dma_wait3A] : memref<10240x64xf32, #tpu.memory_space<vmem_shared>> -> memref<128x64xf32, #tpu.memory_space<vmem_shared>>
      %dma_wait3A_69 = arith.constant 0 : i32
      %dma_wait3A_70 = tpu.memref_slice %arg15[%add3A_22, %dma_wait3A_69] : memref<10240x64xf32, #tpu.memory_space<vmem_shared>> -> memref<128x64xf32, #tpu.memory_space<vmem_shared>>
      tpu.wait_dma2 semaphore(%run_scoped3A : memref<!tpu.dma_semaphore, #tpu.memory_space<semaphore_mem>>) src(%arg9 : memref<128x64xf32, #tpu.memory_space<vmem>>) dst(%dma_wait3A_70 : memref<128x64xf32, #tpu.memory_space<vmem_shared>>)
      tpu.yield
    }) : () -> ()
    %mul3A_23 = arith.constant 640 : i32
    %mul3A_24 = arith.muli %arg1, %mul3A_23 : i32
    %add3A_25 = arith.constant 128 : i32
    %add3A_26 = arith.addi %mul3A_24, %add3A_25 : i32
    "tpu.region"() ({
      %run_scoped3A = tpu.sem_alloc : memref<!tpu.dma_semaphore, #tpu.memory_space<semaphore_mem>>
      %dma_start3A = arith.constant 0 : i32
      %dma_start3A_65 = tpu.memref_slice %arg15[%add3A_26, %dma_start3A] : memref<10240x64xf32, #tpu.memory_space<vmem_shared>> -> memref<128x64xf32, #tpu.memory_space<vmem_shared>>
      %dma_start3A_66 = arith.constant 0 : i32
      %dma_start3A_67 = tpu.memref_slice %arg15[%add3A_26, %dma_start3A_66] : memref<10240x64xf32, #tpu.memory_space<vmem_shared>> -> memref<128x64xf32, #tpu.memory_space<vmem_shared>>
      tpu.enqueue_dma source(%arg9 : memref<128x64xf32, #tpu.memory_space<vmem>>) target(%dma_start3A_67 : memref<128x64xf32, #tpu.memory_space<vmem_shared>>) target_semaphore(%run_scoped3A : memref<!tpu.dma_semaphore, #tpu.memory_space<semaphore_mem>>)
      %dma_wait3A = arith.constant 0 : i32
      %dma_wait3A_68 = tpu.memref_slice %arg15[%add3A_26, %dma_wait3A] : memref<10240x64xf32, #tpu.memory_space<vmem_shared>> -> memref<128x64xf32, #tpu.memory_space<vmem_shared>>
      %dma_wait3A_69 = arith.constant 0 : i32
      %dma_wait3A_70 = tpu.memref_slice %arg15[%add3A_26, %dma_wait3A_69] : memref<10240x64xf32, #tpu.memory_space<vmem_shared>> -> memref<128x64xf32, #tpu.memory_space<vmem_shared>>
      tpu.wait_dma2 semaphore(%run_scoped3A : memref<!tpu.dma_semaphore, #tpu.memory_space<semaphore_mem>>) src(%arg9 : memref<128x64xf32, #tpu.memory_space<vmem>>) dst(%dma_wait3A_70 : memref<128x64xf32, #tpu.memory_space<vmem_shared>>)
      tpu.yield
    }) : () -> ()
    %mul3A_27 = arith.constant 640 : i32
    %mul3A_28 = arith.muli %arg1, %mul3A_27 : i32
    %add3A_29 = arith.constant 256 : i32
    %add3A_30 = arith.addi %mul3A_28, %add3A_29 : i32
    "tpu.region"() ({
      %run_scoped3A = tpu.sem_alloc : memref<!tpu.dma_semaphore, #tpu.memory_space<semaphore_mem>>
      %dma_start3A = arith.constant 0 : i32
      %dma_start3A_65 = tpu.memref_slice %arg15[%add3A_30, %dma_start3A] : memref<10240x64xf32, #tpu.memory_space<vmem_shared>> -> memref<128x64xf32, #tpu.memory_space<vmem_shared>>
      %dma_start3A_66 = arith.constant 0 : i32
      %dma_start3A_67 = tpu.memref_slice %arg15[%add3A_30, %dma_start3A_66] : memref<10240x64xf32, #tpu.memory_space<vmem_shared>> -> memref<128x64xf32, #tpu.memory_space<vmem_shared>>
      tpu.enqueue_dma source(%arg9 : memref<128x64xf32, #tpu.memory_space<vmem>>) target(%dma_start3A_67 : memref<128x64xf32, #tpu.memory_space<vmem_shared>>) target_semaphore(%run_scoped3A : memref<!tpu.dma_semaphore, #tpu.memory_space<semaphore_mem>>)
      %dma_wait3A = arith.constant 0 : i32
      %dma_wait3A_68 = tpu.memref_slice %arg15[%add3A_30, %dma_wait3A] : memref<10240x64xf32, #tpu.memory_space<vmem_shared>> -> memref<128x64xf32, #tpu.memory_space<vmem_shared>>
      %dma_wait3A_69 = arith.constant 0 : i32
      %dma_wait3A_70 = tpu.memref_slice %arg15[%add3A_30, %dma_wait3A_69] : memref<10240x64xf32, #tpu.memory_space<vmem_shared>> -> memref<128x64xf32, #tpu.memory_space<vmem_shared>>
      tpu.wait_dma2 semaphore(%run_scoped3A : memref<!tpu.dma_semaphore, #tpu.memory_space<semaphore_mem>>) src(%arg9 : memref<128x64xf32, #tpu.memory_space<vmem>>) dst(%dma_wait3A_70 : memref<128x64xf32, #tpu.memory_space<vmem_shared>>)
      tpu.yield
    }) : () -> ()
    %mul3A_31 = arith.constant 640 : i32
    %mul3A_32 = arith.muli %arg1, %mul3A_31 : i32
    %add3A_33 = arith.constant 384 : i32
    %add3A_34 = arith.addi %mul3A_32, %add3A_33 : i32
    "tpu.region"() ({
      %run_scoped3A = tpu.sem_alloc : memref<!tpu.dma_semaphore, #tpu.memory_space<semaphore_mem>>
      %dma_start3A = arith.constant 0 : i32
      %dma_start3A_65 = tpu.memref_slice %arg15[%add3A_34, %dma_start3A] : memref<10240x64xf32, #tpu.memory_space<vmem_shared>> -> memref<128x64xf32, #tpu.memory_space<vmem_shared>>
      %dma_start3A_66 = arith.constant 0 : i32
      %dma_start3A_67 = tpu.memref_slice %arg15[%add3A_34, %dma_start3A_66] : memref<10240x64xf32, #tpu.memory_space<vmem_shared>> -> memref<128x64xf32, #tpu.memory_space<vmem_shared>>
      tpu.enqueue_dma source(%arg9 : memref<128x64xf32, #tpu.memory_space<vmem>>) target(%dma_start3A_67 : memref<128x64xf32, #tpu.memory_space<vmem_shared>>) target_semaphore(%run_scoped3A : memref<!tpu.dma_semaphore, #tpu.memory_space<semaphore_mem>>)
      %dma_wait3A = arith.constant 0 : i32
      %dma_wait3A_68 = tpu.memref_slice %arg15[%add3A_34, %dma_wait3A] : memref<10240x64xf32, #tpu.memory_space<vmem_shared>> -> memref<128x64xf32, #tpu.memory_space<vmem_shared>>
      %dma_wait3A_69 = arith.constant 0 : i32
      %dma_wait3A_70 = tpu.memref_slice %arg15[%add3A_34, %dma_wait3A_69] : memref<10240x64xf32, #tpu.memory_space<vmem_shared>> -> memref<128x64xf32, #tpu.memory_space<vmem_shared>>
      tpu.wait_dma2 semaphore(%run_scoped3A : memref<!tpu.dma_semaphore, #tpu.memory_space<semaphore_mem>>) src(%arg9 : memref<128x64xf32, #tpu.memory_space<vmem>>) dst(%dma_wait3A_70 : memref<128x64xf32, #tpu.memory_space<vmem_shared>>)
      tpu.yield
    }) : () -> ()
    %mul3A_35 = arith.constant 640 : i32
    %mul3A_36 = arith.muli %arg1, %mul3A_35 : i32
    %add3A_37 = arith.constant 512 : i32
    %add3A_38 = arith.addi %mul3A_36, %add3A_37 : i32
    "tpu.region"() ({
      %run_scoped3A = tpu.sem_alloc : memref<!tpu.dma_semaphore, #tpu.memory_space<semaphore_mem>>
      %dma_start3A = arith.constant 0 : i32
      %dma_start3A_65 = tpu.memref_slice %arg15[%add3A_38, %dma_start3A] : memref<10240x64xf32, #tpu.memory_space<vmem_shared>> -> memref<128x64xf32, #tpu.memory_space<vmem_shared>>
      %dma_start3A_66 = arith.constant 0 : i32
      %dma_start3A_67 = tpu.memref_slice %arg15[%add3A_38, %dma_start3A_66] : memref<10240x64xf32, #tpu.memory_space<vmem_shared>> -> memref<128x64xf32, #tpu.memory_space<vmem_shared>>
      tpu.enqueue_dma source(%arg9 : memref<128x64xf32, #tpu.memory_space<vmem>>) target(%dma_start3A_67 : memref<128x64xf32, #tpu.memory_space<vmem_shared>>) target_semaphore(%run_scoped3A : memref<!tpu.dma_semaphore, #tpu.memory_space<semaphore_mem>>)
      %dma_wait3A = arith.constant 0 : i32
      %dma_wait3A_68 = tpu.memref_slice %arg15[%add3A_38, %dma_wait3A] : memref<10240x64xf32, #tpu.memory_space<vmem_shared>> -> memref<128x64xf32, #tpu.memory_space<vmem_shared>>
      %dma_wait3A_69 = arith.constant 0 : i32
      %dma_wait3A_70 = tpu.memref_slice %arg15[%add3A_38, %dma_wait3A_69] : memref<10240x64xf32, #tpu.memory_space<vmem_shared>> -> memref<128x64xf32, #tpu.memory_space<vmem_shared>>
      tpu.wait_dma2 semaphore(%run_scoped3A : memref<!tpu.dma_semaphore, #tpu.memory_space<semaphore_mem>>) src(%arg9 : memref<128x64xf32, #tpu.memory_space<vmem>>) dst(%dma_wait3A_70 : memref<128x64xf32, #tpu.memory_space<vmem_shared>>)
      tpu.yield
    }) : () -> ()
    %lt3A_39 = arith.constant 15 : i32
    %lt3A_40 = arith.cmpi slt, %arg1, %lt3A_39 : i32
    %convert_element_type3A_41 = arith.extui %lt3A_40 : i1 to i32
    %cond3A_42 = arith.constant 0 : i32
    %cond3A_43 = arith.cmpi ne, %convert_element_type3A_41, %cond3A_42 : i32
    scf.if %cond3A_43 {
      %mul3A_65 = arith.constant 640 : i32
      %mul3A_66 = arith.muli %arg1, %mul3A_65 : i32
      %mul3A_67 = arith.constant 64 : i32
      %mul3A_68 = arith.muli %arg0, %mul3A_67 : i32
      %mul3A_69 = arith.constant 640 : i32
      %mul3A_70 = arith.muli %arg1, %mul3A_69 : i32
      %dma_wait3A = arith.constant 0 : i32
      %dma_wait3A_71 = tpu.memref_slice %arg14[%mul3A_70, %dma_wait3A] : memref<10240x64xf32, #tpu.memory_space<vmem_shared>> -> memref<640x64xf32, #tpu.memory_space<vmem_shared>>
      %dma_wait3A_72 = tpu.memref_slice %arg2[%mul3A_66, %mul3A_68] : memref<10000x128xf32, #tpu.memory_space<hbm>> -> memref<640x64xf32, #tpu.memory_space<hbm>>
      tpu.wait_dma2 semaphore(%arg16 : memref<!tpu.dma_semaphore, #tpu.memory_space<semaphore_mem>>) src(%dma_wait3A_72 : memref<640x64xf32, #tpu.memory_space<hbm>>) dst(%dma_wait3A_71 : memref<640x64xf32, #tpu.memory_space<vmem_shared>>)
    } else {
    }
    %eq3A_44 = arith.constant 15 : i32
    %eq3A_45 = arith.cmpi eq, %arg1, %eq3A_44 : i32
    %convert_element_type3A_46 = arith.extui %eq3A_45 : i1 to i32
    %cond3A_47 = arith.constant 0 : i32
    %cond3A_48 = arith.cmpi ne, %convert_element_type3A_46, %cond3A_47 : i32
    scf.if %cond3A_48 {
      %mul3A_65 = arith.constant 64 : i32
      %mul3A_66 = arith.muli %arg0, %mul3A_65 : i32
      %dma_wait3A = arith.constant 9600 : i32
      %dma_wait3A_67 = arith.constant 0 : i32
      %dma_wait3A_68 = tpu.memref_slice %arg14[%dma_wait3A, %dma_wait3A_67] : memref<10240x64xf32, #tpu.memory_space<vmem_shared>> -> memref<400x64xf32, #tpu.memory_space<vmem_shared>>
      %dma_wait3A_69 = arith.constant 9600 : i32
      %dma_wait3A_70 = tpu.memref_slice %arg2[%dma_wait3A_69, %mul3A_66] : memref<10000x128xf32, #tpu.memory_space<hbm>> -> memref<400x64xf32, #tpu.memory_space<hbm>>
      tpu.wait_dma2 semaphore(%arg16 : memref<!tpu.dma_semaphore, #tpu.memory_space<semaphore_mem>>) src(%dma_wait3A_70 : memref<400x64xf32, #tpu.memory_space<hbm>>) dst(%dma_wait3A_68 : memref<400x64xf32, #tpu.memory_space<vmem_shared>>)
    } else {
    }
    %barrier3A = arith.constant 0 : index
    tpu.barrier barrier_id(%barrier3A)
    %scan3A_49 = arith.constant 0 : i32
    %scan3A_50 = arith.constant 5 : i32
    %scan3A_51 = arith.addi %scan3A_49, %scan3A_50 : i32
    %scan3A_52 = arith.constant 1 : i32
    scf.for %scan3A_65 = %scan3A_49 to %scan3A_51 step %scan3A_52  : i32 {
      %mul3A_66 = arith.constant 1 : i32
      %mul3A_67 = arith.muli %scan3A_65, %mul3A_66 : i32
      %add3A_68 = arith.constant 0 : i32
      %add3A_69 = arith.addi %add3A_68, %mul3A_67 : i32
      %mul3A_70 = arith.constant 160 : i32
      %mul3A_71 = arith.muli %arg1, %mul3A_70 : i32
      %mul3A_72 = arith.constant 32 : i32
      %mul3A_73 = arith.muli %add3A_69, %mul3A_72 : i32
      %add3A_74 = arith.addi %mul3A_71, %mul3A_73 : i32
      "tpu.region"() ({
        %run_scoped3A = tpu.sem_alloc : memref<!tpu.dma_semaphore, #tpu.memory_space<semaphore_mem>>
        %dma_start3A_112 = arith.constant 0 : i32
        %dma_start3A_113 = tpu.memref_slice %arg3[%add3A_74, %dma_start3A_112] : memref<2560x128xi32, #tpu.memory_space<hbm>> -> memref<32x128xi32, #tpu.memory_space<hbm>>
        %dma_start3A_114 = arith.constant 0 : i32
        %dma_start3A_115 = tpu.memref_slice %arg3[%add3A_74, %dma_start3A_114] : memref<2560x128xi32, #tpu.memory_space<hbm>> -> memref<32x128xi32, #tpu.memory_space<hbm>>
        tpu.enqueue_dma source(%dma_start3A_115 : memref<32x128xi32, #tpu.memory_space<hbm>>) target(%arg7 : memref<32x128xi32, #tpu.memory_space<vmem>>) target_semaphore(%run_scoped3A : memref<!tpu.dma_semaphore, #tpu.memory_space<semaphore_mem>>)
        %dma_wait3A = arith.constant 0 : i32
        %dma_wait3A_116 = tpu.memref_slice %arg3[%add3A_74, %dma_wait3A] : memref<2560x128xi32, #tpu.memory_space<hbm>> -> memref<32x128xi32, #tpu.memory_space<hbm>>
        %dma_wait3A_117 = arith.constant 0 : i32
        %dma_wait3A_118 = tpu.memref_slice %arg3[%add3A_74, %dma_wait3A_117] : memref<2560x128xi32, #tpu.memory_space<hbm>> -> memref<32x128xi32, #tpu.memory_space<hbm>>
        tpu.wait_dma2 semaphore(%run_scoped3A : memref<!tpu.dma_semaphore, #tpu.memory_space<semaphore_mem>>) src(%dma_wait3A_118 : memref<32x128xi32, #tpu.memory_space<hbm>>) dst(%arg7 : memref<32x128xi32, #tpu.memory_space<vmem>>)
        tpu.yield
      }) : () -> ()
      %mul3A_75 = arith.constant 160 : i32
      %mul3A_76 = arith.muli %arg1, %mul3A_75 : i32
      %mul3A_77 = arith.constant 32 : i32
      %mul3A_78 = arith.muli %add3A_69, %mul3A_77 : i32
      %add3A_79 = arith.addi %mul3A_76, %mul3A_78 : i32
      "tpu.region"() ({
        %run_scoped3A = tpu.sem_alloc : memref<!tpu.dma_semaphore, #tpu.memory_space<semaphore_mem>>
        %dma_start3A_112 = arith.constant 0 : i32
        %dma_start3A_113 = tpu.memref_slice %arg4[%add3A_79, %dma_start3A_112] : memref<2560x128xi32, #tpu.memory_space<hbm>> -> memref<32x128xi32, #tpu.memory_space<hbm>>
        %dma_start3A_114 = arith.constant 0 : i32
        %dma_start3A_115 = tpu.memref_slice %arg4[%add3A_79, %dma_start3A_114] : memref<2560x128xi32, #tpu.memory_space<hbm>> -> memref<32x128xi32, #tpu.memory_space<hbm>>
        tpu.enqueue_dma source(%dma_start3A_115 : memref<32x128xi32, #tpu.memory_space<hbm>>) target(%arg8 : memref<32x128xi32, #tpu.memory_space<vmem>>) target_semaphore(%run_scoped3A : memref<!tpu.dma_semaphore, #tpu.memory_space<semaphore_mem>>)
        %dma_wait3A = arith.constant 0 : i32
        %dma_wait3A_116 = tpu.memref_slice %arg4[%add3A_79, %dma_wait3A] : memref<2560x128xi32, #tpu.memory_space<hbm>> -> memref<32x128xi32, #tpu.memory_space<hbm>>
        %dma_wait3A_117 = arith.constant 0 : i32
        %dma_wait3A_118 = tpu.memref_slice %arg4[%add3A_79, %dma_wait3A_117] : memref<2560x128xi32, #tpu.memory_space<hbm>> -> memref<32x128xi32, #tpu.memory_space<hbm>>
        tpu.wait_dma2 semaphore(%run_scoped3A : memref<!tpu.dma_semaphore, #tpu.memory_space<semaphore_mem>>) src(%dma_wait3A_118 : memref<32x128xi32, #tpu.memory_space<hbm>>) dst(%arg8 : memref<32x128xi32, #tpu.memory_space<vmem>>)
        tpu.yield
      }) : () -> ()
      %dma_start3A = arith.constant 0 : i32
      %dma_start3A_80 = arith.constant 0 : i32
      %dma_start3A_81 = tpu.memref_slice %arg7[%dma_start3A, %dma_start3A_80] : memref<32x128xi32, #tpu.memory_space<vmem>> -> memref<1x128xi32, #tpu.memory_space<vmem>>
      %dma_start3A_82 = tpu.memref_squeeze %dma_start3A_81 : memref<1x128xi32, #tpu.memory_space<vmem>> -> memref<128xi32, #tpu.memory_space<vmem>>
      %dma_start3A_83 = arith.constant 0 : i32
      %dma_start3A_84 = arith.constant 0 : i32
      %dma_start3A_85 = tpu.memref_slice %arg14[%dma_start3A_83, %dma_start3A_84] : memref<10240x64xf32, #tpu.memory_space<vmem_shared>> -> memref<10240x64xf32, #tpu.memory_space<vmem_shared>>
      tpu.enqueue_indirect_dma source(%dma_start3A_85 : memref<10240x64xf32, #tpu.memory_space<vmem_shared>>) target(%arg9 : memref<128x64xf32, #tpu.memory_space<vmem>>) offsets(%dma_start3A_82 : memref<128xi32, #tpu.memory_space<vmem>>) semaphore(%arg16 : memref<!tpu.dma_semaphore, #tpu.memory_space<semaphore_mem>>)
      %dma_start3A_86 = arith.constant 1 : i32
      %dma_start3A_87 = arith.constant 0 : i32
      %dma_start3A_88 = tpu.memref_slice %arg7[%dma_start3A_86, %dma_start3A_87] : memref<32x128xi32, #tpu.memory_space<vmem>> -> memref<1x128xi32, #tpu.memory_space<vmem>>
      %dma_start3A_89 = tpu.memref_squeeze %dma_start3A_88 : memref<1x128xi32, #tpu.memory_space<vmem>> -> memref<128xi32, #tpu.memory_space<vmem>>
      %dma_start3A_90 = arith.constant 0 : i32
      %dma_start3A_91 = arith.constant 0 : i32
      %dma_start3A_92 = tpu.memref_slice %arg14[%dma_start3A_90, %dma_start3A_91] : memref<10240x64xf32, #tpu.memory_space<vmem_shared>> -> memref<10240x64xf32, #tpu.memory_space<vmem_shared>>
      tpu.enqueue_indirect_dma source(%dma_start3A_92 : memref<10240x64xf32, #tpu.memory_space<vmem_shared>>) target(%arg10 : memref<128x64xf32, #tpu.memory_space<vmem>>) offsets(%dma_start3A_89 : memref<128xi32, #tpu.memory_space<vmem>>) semaphore(%arg17 : memref<!tpu.dma_semaphore, #tpu.memory_space<semaphore_mem>>)
      %dma_start3A_93 = arith.constant 2 : i32
      %dma_start3A_94 = arith.constant 0 : i32
      %dma_start3A_95 = tpu.memref_slice %arg7[%dma_start3A_93, %dma_start3A_94] : memref<32x128xi32, #tpu.memory_space<vmem>> -> memref<1x128xi32, #tpu.memory_space<vmem>>
      %dma_start3A_96 = tpu.memref_squeeze %dma_start3A_95 : memref<1x128xi32, #tpu.memory_space<vmem>> -> memref<128xi32, #tpu.memory_space<vmem>>
      %dma_start3A_97 = arith.constant 0 : i32
      %dma_start3A_98 = arith.constant 0 : i32
      %dma_start3A_99 = tpu.memref_slice %arg14[%dma_start3A_97, %dma_start3A_98] : memref<10240x64xf32, #tpu.memory_space<vmem_shared>> -> memref<10240x64xf32, #tpu.memory_space<vmem_shared>>
      tpu.enqueue_indirect_dma source(%dma_start3A_99 : memref<10240x64xf32, #tpu.memory_space<vmem_shared>>) target(%arg11 : memref<128x64xf32, #tpu.memory_space<vmem>>) offsets(%dma_start3A_96 : memref<128xi32, #tpu.memory_space<vmem>>) semaphore(%arg18 : memref<!tpu.dma_semaphore, #tpu.memory_space<semaphore_mem>>)
      %dma_start3A_100 = arith.constant 3 : i32
      %dma_start3A_101 = arith.constant 0 : i32
      %dma_start3A_102 = tpu.memref_slice %arg7[%dma_start3A_100, %dma_start3A_101] : memref<32x128xi32, #tpu.memory_space<vmem>> -> memref<1x128xi32, #tpu.memory_space<vmem>>
      %dma_start3A_103 = tpu.memref_squeeze %dma_start3A_102 : memref<1x128xi32, #tpu.memory_space<vmem>> -> memref<128xi32, #tpu.memory_space<vmem>>
      %dma_start3A_104 = arith.constant 0 : i32
      %dma_start3A_105 = arith.constant 0 : i32
      %dma_start3A_106 = tpu.memref_slice %arg14[%dma_start3A_104, %dma_start3A_105] : memref<10240x64xf32, #tpu.memory_space<vmem_shared>> -> memref<10240x64xf32, #tpu.memory_space<vmem_shared>>
      tpu.enqueue_indirect_dma source(%dma_start3A_106 : memref<10240x64xf32, #tpu.memory_space<vmem_shared>>) target(%arg12 : memref<128x64xf32, #tpu.memory_space<vmem>>) offsets(%dma_start3A_103 : memref<128xi32, #tpu.memory_space<vmem>>) semaphore(%arg19 : memref<!tpu.dma_semaphore, #tpu.memory_space<semaphore_mem>>)
      %scan3A_107 = arith.constant 0 : i32
      %scan3A_108 = arith.constant 8 : i32
      %scan3A_109 = arith.addi %scan3A_107, %scan3A_108 : i32
      %scan3A_110 = arith.constant 1 : i32
      scf.for %scan3A_112 = %scan3A_107 to %scan3A_109 step %scan3A_110  : i32 {
        %mul3A_113 = arith.constant 4 : i32
        %mul3A_114 = arith.muli %scan3A_112, %mul3A_113 : i32
        %add3A_115 = arith.constant 0 : i32
        %add3A_116 = arith.addi %add3A_115, %mul3A_114 : i32
        %add3A_117 = arith.constant 0 : i32
        %add3A_118 = arith.addi %add3A_116, %add3A_117 : i32
        %dma_wait3A = arith.constant 0 : i32
        %dma_wait3A_119 = tpu.memref_slice %arg7[%add3A_118, %dma_wait3A] : memref<32x128xi32, #tpu.memory_space<vmem>> -> memref<1x128xi32, #tpu.memory_space<vmem>>
        %dma_wait3A_120 = tpu.memref_squeeze %dma_wait3A_119 : memref<1x128xi32, #tpu.memory_space<vmem>> -> memref<128xi32, #tpu.memory_space<vmem>>
        %dma_wait3A_121 = arith.constant 0 : i32
        %dma_wait3A_122 = arith.constant 0 : i32
        %dma_wait3A_123 = tpu.memref_slice %arg14[%dma_wait3A_121, %dma_wait3A_122] : memref<10240x64xf32, #tpu.memory_space<vmem_shared>> -> memref<10240x64xf32, #tpu.memory_space<vmem_shared>>
        tpu.wait_indirect_dma semaphore(%arg16 : memref<!tpu.dma_semaphore, #tpu.memory_space<semaphore_mem>>) src(%dma_wait3A_123 : memref<10240x64xf32, #tpu.memory_space<vmem_shared>>) dst(%arg9 : memref<128x64xf32, #tpu.memory_space<vmem>>)
        %add3A_124 = arith.constant 0 : i32
        %add3A_125 = arith.addi %add3A_116, %add3A_124 : i32
        %dma_start3A_126 = arith.constant 0 : i32
        %dma_start3A_127 = tpu.memref_slice %arg8[%add3A_125, %dma_start3A_126] : memref<32x128xi32, #tpu.memory_space<vmem>> -> memref<1x128xi32, #tpu.memory_space<vmem>>
        %dma_start3A_128 = tpu.memref_squeeze %dma_start3A_127 : memref<1x128xi32, #tpu.memory_space<vmem>> -> memref<128xi32, #tpu.memory_space<vmem>>
        %dma_start3A_129 = arith.constant 0 : i32
        %dma_start3A_130 = arith.constant 0 : i32
        %dma_start3A_131 = tpu.memref_slice %arg15[%dma_start3A_129, %dma_start3A_130] : memref<10240x64xf32, #tpu.memory_space<vmem_shared>> -> memref<10240x64xf32, #tpu.memory_space<vmem_shared>>
        tpu.enqueue_indirect_dma source(%arg9 : memref<128x64xf32, #tpu.memory_space<vmem>>) target(%dma_start3A_131 : memref<10240x64xf32, #tpu.memory_space<vmem_shared>>) offsets(%dma_start3A_128 : memref<128xi32, #tpu.memory_space<vmem>>) semaphore(%arg20 : memref<!tpu.dma_semaphore, #tpu.memory_space<semaphore_mem>>) {add = true}
        %add3A_132 = arith.constant 1 : i32
        %add3A_133 = arith.addi %add3A_116, %add3A_132 : i32
        %dma_wait3A_134 = arith.constant 0 : i32
        %dma_wait3A_135 = tpu.memref_slice %arg7[%add3A_133, %dma_wait3A_134] : memref<32x128xi32, #tpu.memory_space<vmem>> -> memref<1x128xi32, #tpu.memory_space<vmem>>
        %dma_wait3A_136 = tpu.memref_squeeze %dma_wait3A_135 : memref<1x128xi32, #tpu.memory_space<vmem>> -> memref<128xi32, #tpu.memory_space<vmem>>
        %dma_wait3A_137 = arith.constant 0 : i32
        %dma_wait3A_138 = arith.constant 0 : i32
        %dma_wait3A_139 = tpu.memref_slice %arg14[%dma_wait3A_137, %dma_wait3A_138] : memref<10240x64xf32, #tpu.memory_space<vmem_shared>> -> memref<10240x64xf32, #tpu.memory_space<vmem_shared>>
        tpu.wait_indirect_dma semaphore(%arg17 : memref<!tpu.dma_semaphore, #tpu.memory_space<semaphore_mem>>) src(%dma_wait3A_139 : memref<10240x64xf32, #tpu.memory_space<vmem_shared>>) dst(%arg10 : memref<128x64xf32, #tpu.memory_space<vmem>>)
        %add3A_140 = arith.constant 1 : i32
        %add3A_141 = arith.addi %add3A_116, %add3A_140 : i32
        %dma_start3A_142 = arith.constant 0 : i32
        %dma_start3A_143 = tpu.memref_slice %arg8[%add3A_141, %dma_start3A_142] : memref<32x128xi32, #tpu.memory_space<vmem>> -> memref<1x128xi32, #tpu.memory_space<vmem>>
        %dma_start3A_144 = tpu.memref_squeeze %dma_start3A_143 : memref<1x128xi32, #tpu.memory_space<vmem>> -> memref<128xi32, #tpu.memory_space<vmem>>
        %dma_start3A_145 = arith.constant 0 : i32
        %dma_start3A_146 = arith.constant 0 : i32
        %dma_start3A_147 = tpu.memref_slice %arg15[%dma_start3A_145, %dma_start3A_146] : memref<10240x64xf32, #tpu.memory_space<vmem_shared>> -> memref<10240x64xf32, #tpu.memory_space<vmem_shared>>
        tpu.enqueue_indirect_dma source(%arg10 : memref<128x64xf32, #tpu.memory_space<vmem>>) target(%dma_start3A_147 : memref<10240x64xf32, #tpu.memory_space<vmem_shared>>) offsets(%dma_start3A_144 : memref<128xi32, #tpu.memory_space<vmem>>) semaphore(%arg21 : memref<!tpu.dma_semaphore, #tpu.memory_space<semaphore_mem>>) {add = true}
        %add3A_148 = arith.constant 2 : i32
        %add3A_149 = arith.addi %add3A_116, %add3A_148 : i32
        %dma_wait3A_150 = arith.constant 0 : i32
        %dma_wait3A_151 = tpu.memref_slice %arg7[%add3A_149, %dma_wait3A_150] : memref<32x128xi32, #tpu.memory_space<vmem>> -> memref<1x128xi32, #tpu.memory_space<vmem>>
        %dma_wait3A_152 = tpu.memref_squeeze %dma_wait3A_151 : memref<1x128xi32, #tpu.memory_space<vmem>> -> memref<128xi32, #tpu.memory_space<vmem>>
        %dma_wait3A_153 = arith.constant 0 : i32
        %dma_wait3A_154 = arith.constant 0 : i32
        %dma_wait3A_155 = tpu.memref_slice %arg14[%dma_wait3A_153, %dma_wait3A_154] : memref<10240x64xf32, #tpu.memory_space<vmem_shared>> -> memref<10240x64xf32, #tpu.memory_space<vmem_shared>>
        tpu.wait_indirect_dma semaphore(%arg18 : memref<!tpu.dma_semaphore, #tpu.memory_space<semaphore_mem>>) src(%dma_wait3A_155 : memref<10240x64xf32, #tpu.memory_space<vmem_shared>>) dst(%arg11 : memref<128x64xf32, #tpu.memory_space<vmem>>)
        %add3A_156 = arith.constant 2 : i32
        %add3A_157 = arith.addi %add3A_116, %add3A_156 : i32
        %dma_start3A_158 = arith.constant 0 : i32
        %dma_start3A_159 = tpu.memref_slice %arg8[%add3A_157, %dma_start3A_158] : memref<32x128xi32, #tpu.memory_space<vmem>> -> memref<1x128xi32, #tpu.memory_space<vmem>>
        %dma_start3A_160 = tpu.memref_squeeze %dma_start3A_159 : memref<1x128xi32, #tpu.memory_space<vmem>> -> memref<128xi32, #tpu.memory_space<vmem>>
        %dma_start3A_161 = arith.constant 0 : i32
        %dma_start3A_162 = arith.constant 0 : i32
        %dma_start3A_163 = tpu.memref_slice %arg15[%dma_start3A_161, %dma_start3A_162] : memref<10240x64xf32, #tpu.memory_space<vmem_shared>> -> memref<10240x64xf32, #tpu.memory_space<vmem_shared>>
        tpu.enqueue_indirect_dma source(%arg11 : memref<128x64xf32, #tpu.memory_space<vmem>>) target(%dma_start3A_163 : memref<10240x64xf32, #tpu.memory_space<vmem_shared>>) offsets(%dma_start3A_160 : memref<128xi32, #tpu.memory_space<vmem>>) semaphore(%arg22 : memref<!tpu.dma_semaphore, #tpu.memory_space<semaphore_mem>>) {add = true}
        %add3A_164 = arith.constant 3 : i32
        %add3A_165 = arith.addi %add3A_116, %add3A_164 : i32
        %dma_wait3A_166 = arith.constant 0 : i32
        %dma_wait3A_167 = tpu.memref_slice %arg7[%add3A_165, %dma_wait3A_166] : memref<32x128xi32, #tpu.memory_space<vmem>> -> memref<1x128xi32, #tpu.memory_space<vmem>>
        %dma_wait3A_168 = tpu.memref_squeeze %dma_wait3A_167 : memref<1x128xi32, #tpu.memory_space<vmem>> -> memref<128xi32, #tpu.memory_space<vmem>>
        %dma_wait3A_169 = arith.constant 0 : i32
        %dma_wait3A_170 = arith.constant 0 : i32
        %dma_wait3A_171 = tpu.memref_slice %arg14[%dma_wait3A_169, %dma_wait3A_170] : memref<10240x64xf32, #tpu.memory_space<vmem_shared>> -> memref<10240x64xf32, #tpu.memory_space<vmem_shared>>
        tpu.wait_indirect_dma semaphore(%arg19 : memref<!tpu.dma_semaphore, #tpu.memory_space<semaphore_mem>>) src(%dma_wait3A_171 : memref<10240x64xf32, #tpu.memory_space<vmem_shared>>) dst(%arg12 : memref<128x64xf32, #tpu.memory_space<vmem>>)
        %add3A_172 = arith.constant 3 : i32
        %add3A_173 = arith.addi %add3A_116, %add3A_172 : i32
        %dma_start3A_174 = arith.constant 0 : i32
        %dma_start3A_175 = tpu.memref_slice %arg8[%add3A_173, %dma_start3A_174] : memref<32x128xi32, #tpu.memory_space<vmem>> -> memref<1x128xi32, #tpu.memory_space<vmem>>
        %dma_start3A_176 = tpu.memref_squeeze %dma_start3A_175 : memref<1x128xi32, #tpu.memory_space<vmem>> -> memref<128xi32, #tpu.memory_space<vmem>>
        %dma_start3A_177 = arith.constant 0 : i32
        %dma_start3A_178 = arith.constant 0 : i32
        %dma_start3A_179 = tpu.memref_slice %arg15[%dma_start3A_177, %dma_start3A_178] : memref<10240x64xf32, #tpu.memory_space<vmem_shared>> -> memref<10240x64xf32, #tpu.memory_space<vmem_shared>>
        tpu.enqueue_indirect_dma source(%arg12 : memref<128x64xf32, #tpu.memory_space<vmem>>) target(%dma_start3A_179 : memref<10240x64xf32, #tpu.memory_space<vmem_shared>>) offsets(%dma_start3A_176 : memref<128xi32, #tpu.memory_space<vmem>>) semaphore(%arg23 : memref<!tpu.dma_semaphore, #tpu.memory_space<semaphore_mem>>) {add = true}
        %add3A_180 = arith.constant 0 : i32
        %add3A_181 = arith.addi %add3A_116, %add3A_180 : i32
        %dma_wait3A_182 = arith.constant 0 : i32
        %dma_wait3A_183 = tpu.memref_slice %arg8[%add3A_181, %dma_wait3A_182] : memref<32x128xi32, #tpu.memory_space<vmem>> -> memref<1x128xi32, #tpu.memory_space<vmem>>
        %dma_wait3A_184 = tpu.memref_squeeze %dma_wait3A_183 : memref<1x128xi32, #tpu.memory_space<vmem>> -> memref<128xi32, #tpu.memory_space<vmem>>
        %dma_wait3A_185 = arith.constant 0 : i32
        %dma_wait3A_186 = arith.constant 0 : i32
        %dma_wait3A_187 = tpu.memref_slice %arg15[%dma_wait3A_185, %dma_wait3A_186] : memref<10240x64xf32, #tpu.memory_space<vmem_shared>> -> memref<10240x64xf32, #tpu.memory_space<vmem_shared>>
        tpu.wait_indirect_dma semaphore(%arg20 : memref<!tpu.dma_semaphore, #tpu.memory_space<semaphore_mem>>) src(%arg9 : memref<128x64xf32, #tpu.memory_space<vmem>>) dst(%dma_wait3A_187 : memref<10240x64xf32, #tpu.memory_space<vmem_shared>>)
        %add3A_188 = arith.constant 4 : i32
        %add3A_189 = arith.addi %add3A_116, %add3A_188 : i32
        %add3A_190 = arith.constant 0 : i32
        %add3A_191 = arith.addi %add3A_189, %add3A_190 : i32
        %lt3A_192 = arith.constant 32 : i32
        %lt3A_193 = arith.cmpi slt, %add3A_191, %lt3A_192 : i32
        %convert_element_type3A_194 = arith.extui %lt3A_193 : i1 to i32
        %cond3A_195 = arith.constant 0 : i32
        %cond3A_196 = arith.cmpi ne, %convert_element_type3A_194, %cond3A_195 : i32
        scf.if %cond3A_196 {
          %add3A_248 = arith.constant 4 : i32
          %add3A_249 = arith.addi %add3A_116, %add3A_248 : i32
          %add3A_250 = arith.constant 0 : i32
          %add3A_251 = arith.addi %add3A_249, %add3A_250 : i32
          %dma_start3A_252 = arith.constant 0 : i32
          %dma_start3A_253 = tpu.memref_slice %arg7[%add3A_251, %dma_start3A_252] : memref<32x128xi32, #tpu.memory_space<vmem>> -> memref<1x128xi32, #tpu.memory_space<vmem>>
          %dma_start3A_254 = tpu.memref_squeeze %dma_start3A_253 : memref<1x128xi32, #tpu.memory_space<vmem>> -> memref<128xi32, #tpu.memory_space<vmem>>
          %dma_start3A_255 = arith.constant 0 : i32
          %dma_start3A_256 = arith.constant 0 : i32
          %dma_start3A_257 = tpu.memref_slice %arg14[%dma_start3A_255, %dma_start3A_256] : memref<10240x64xf32, #tpu.memory_space<vmem_shared>> -> memref<10240x64xf32, #tpu.memory_space<vmem_shared>>
          tpu.enqueue_indirect_dma source(%dma_start3A_257 : memref<10240x64xf32, #tpu.memory_space<vmem_shared>>) target(%arg9 : memref<128x64xf32, #tpu.memory_space<vmem>>) offsets(%dma_start3A_254 : memref<128xi32, #tpu.memory_space<vmem>>) semaphore(%arg16 : memref<!tpu.dma_semaphore, #tpu.memory_space<semaphore_mem>>)
        } else {
        }
        %add3A_197 = arith.constant 1 : i32
        %add3A_198 = arith.addi %add3A_116, %add3A_197 : i32
        %dma_wait3A_199 = arith.constant 0 : i32
        %dma_wait3A_200 = tpu.memref_slice %arg8[%add3A_198, %dma_wait3A_199] : memref<32x128xi32, #tpu.memory_space<vmem>> -> memref<1x128xi32, #tpu.memory_space<vmem>>
        %dma_wait3A_201 = tpu.memref_squeeze %dma_wait3A_200 : memref<1x128xi32, #tpu.memory_space<vmem>> -> memref<128xi32, #tpu.memory_space<vmem>>
        %dma_wait3A_202 = arith.constant 0 : i32
        %dma_wait3A_203 = arith.constant 0 : i32
        %dma_wait3A_204 = tpu.memref_slice %arg15[%dma_wait3A_202, %dma_wait3A_203] : memref<10240x64xf32, #tpu.memory_space<vmem_shared>> -> memref<10240x64xf32, #tpu.memory_space<vmem_shared>>
        tpu.wait_indirect_dma semaphore(%arg21 : memref<!tpu.dma_semaphore, #tpu.memory_space<semaphore_mem>>) src(%arg10 : memref<128x64xf32, #tpu.memory_space<vmem>>) dst(%dma_wait3A_204 : memref<10240x64xf32, #tpu.memory_space<vmem_shared>>)
        %add3A_205 = arith.constant 4 : i32
        %add3A_206 = arith.addi %add3A_116, %add3A_205 : i32
        %add3A_207 = arith.constant 1 : i32
        %add3A_208 = arith.addi %add3A_206, %add3A_207 : i32
        %lt3A_209 = arith.constant 32 : i32
        %lt3A_210 = arith.cmpi slt, %add3A_208, %lt3A_209 : i32
        %convert_element_type3A_211 = arith.extui %lt3A_210 : i1 to i32
        %cond3A_212 = arith.constant 0 : i32
        %cond3A_213 = arith.cmpi ne, %convert_element_type3A_211, %cond3A_212 : i32
        scf.if %cond3A_213 {
          %add3A_248 = arith.constant 4 : i32
          %add3A_249 = arith.addi %add3A_116, %add3A_248 : i32
          %add3A_250 = arith.constant 1 : i32
          %add3A_251 = arith.addi %add3A_249, %add3A_250 : i32
          %dma_start3A_252 = arith.constant 0 : i32
          %dma_start3A_253 = tpu.memref_slice %arg7[%add3A_251, %dma_start3A_252] : memref<32x128xi32, #tpu.memory_space<vmem>> -> memref<1x128xi32, #tpu.memory_space<vmem>>
          %dma_start3A_254 = tpu.memref_squeeze %dma_start3A_253 : memref<1x128xi32, #tpu.memory_space<vmem>> -> memref<128xi32, #tpu.memory_space<vmem>>
          %dma_start3A_255 = arith.constant 0 : i32
          %dma_start3A_256 = arith.constant 0 : i32
          %dma_start3A_257 = tpu.memref_slice %arg14[%dma_start3A_255, %dma_start3A_256] : memref<10240x64xf32, #tpu.memory_space<vmem_shared>> -> memref<10240x64xf32, #tpu.memory_space<vmem_shared>>
          tpu.enqueue_indirect_dma source(%dma_start3A_257 : memref<10240x64xf32, #tpu.memory_space<vmem_shared>>) target(%arg10 : memref<128x64xf32, #tpu.memory_space<vmem>>) offsets(%dma_start3A_254 : memref<128xi32, #tpu.memory_space<vmem>>) semaphore(%arg17 : memref<!tpu.dma_semaphore, #tpu.memory_space<semaphore_mem>>)
        } else {
        }
        %add3A_214 = arith.constant 2 : i32
        %add3A_215 = arith.addi %add3A_116, %add3A_214 : i32
        %dma_wait3A_216 = arith.constant 0 : i32
        %dma_wait3A_217 = tpu.memref_slice %arg8[%add3A_215, %dma_wait3A_216] : memref<32x128xi32, #tpu.memory_space<vmem>> -> memref<1x128xi32, #tpu.memory_space<vmem>>
        %dma_wait3A_218 = tpu.memref_squeeze %dma_wait3A_217 : memref<1x128xi32, #tpu.memory_space<vmem>> -> memref<128xi32, #tpu.memory_space<vmem>>
        %dma_wait3A_219 = arith.constant 0 : i32
        %dma_wait3A_220 = arith.constant 0 : i32
        %dma_wait3A_221 = tpu.memref_slice %arg15[%dma_wait3A_219, %dma_wait3A_220] : memref<10240x64xf32, #tpu.memory_space<vmem_shared>> -> memref<10240x64xf32, #tpu.memory_space<vmem_shared>>
        tpu.wait_indirect_dma semaphore(%arg22 : memref<!tpu.dma_semaphore, #tpu.memory_space<semaphore_mem>>) src(%arg11 : memref<128x64xf32, #tpu.memory_space<vmem>>) dst(%dma_wait3A_221 : memref<10240x64xf32, #tpu.memory_space<vmem_shared>>)
        %add3A_222 = arith.constant 4 : i32
        %add3A_223 = arith.addi %add3A_116, %add3A_222 : i32
        %add3A_224 = arith.constant 2 : i32
        %add3A_225 = arith.addi %add3A_223, %add3A_224 : i32
        %lt3A_226 = arith.constant 32 : i32
        %lt3A_227 = arith.cmpi slt, %add3A_225, %lt3A_226 : i32
        %convert_element_type3A_228 = arith.extui %lt3A_227 : i1 to i32
        %cond3A_229 = arith.constant 0 : i32
        %cond3A_230 = arith.cmpi ne, %convert_element_type3A_228, %cond3A_229 : i32
        scf.if %cond3A_230 {
          %add3A_248 = arith.constant 4 : i32
          %add3A_249 = arith.addi %add3A_116, %add3A_248 : i32
          %add3A_250 = arith.constant 2 : i32
          %add3A_251 = arith.addi %add3A_249, %add3A_250 : i32
          %dma_start3A_252 = arith.constant 0 : i32
          %dma_start3A_253 = tpu.memref_slice %arg7[%add3A_251, %dma_start3A_252] : memref<32x128xi32, #tpu.memory_space<vmem>> -> memref<1x128xi32, #tpu.memory_space<vmem>>
          %dma_start3A_254 = tpu.memref_squeeze %dma_start3A_253 : memref<1x128xi32, #tpu.memory_space<vmem>> -> memref<128xi32, #tpu.memory_space<vmem>>
          %dma_start3A_255 = arith.constant 0 : i32
          %dma_start3A_256 = arith.constant 0 : i32
          %dma_start3A_257 = tpu.memref_slice %arg14[%dma_start3A_255, %dma_start3A_256] : memref<10240x64xf32, #tpu.memory_space<vmem_shared>> -> memref<10240x64xf32, #tpu.memory_space<vmem_shared>>
          tpu.enqueue_indirect_dma source(%dma_start3A_257 : memref<10240x64xf32, #tpu.memory_space<vmem_shared>>) target(%arg11 : memref<128x64xf32, #tpu.memory_space<vmem>>) offsets(%dma_start3A_254 : memref<128xi32, #tpu.memory_space<vmem>>) semaphore(%arg18 : memref<!tpu.dma_semaphore, #tpu.memory_space<semaphore_mem>>)
        } else {
        }
        %add3A_231 = arith.constant 3 : i32
        %add3A_232 = arith.addi %add3A_116, %add3A_231 : i32
        %dma_wait3A_233 = arith.constant 0 : i32
        %dma_wait3A_234 = tpu.memref_slice %arg8[%add3A_232, %dma_wait3A_233] : memref<32x128xi32, #tpu.memory_space<vmem>> -> memref<1x128xi32, #tpu.memory_space<vmem>>
        %dma_wait3A_235 = tpu.memref_squeeze %dma_wait3A_234 : memref<1x128xi32, #tpu.memory_space<vmem>> -> memref<128xi32, #tpu.memory_space<vmem>>
        %dma_wait3A_236 = arith.constant 0 : i32
        %dma_wait3A_237 = arith.constant 0 : i32
        %dma_wait3A_238 = tpu.memref_slice %arg15[%dma_wait3A_236, %dma_wait3A_237] : memref<10240x64xf32, #tpu.memory_space<vmem_shared>> -> memref<10240x64xf32, #tpu.memory_space<vmem_shared>>
        tpu.wait_indirect_dma semaphore(%arg23 : memref<!tpu.dma_semaphore, #tpu.memory_space<semaphore_mem>>) src(%arg12 : memref<128x64xf32, #tpu.memory_space<vmem>>) dst(%dma_wait3A_238 : memref<10240x64xf32, #tpu.memory_space<vmem_shared>>)
        %add3A_239 = arith.constant 4 : i32
        %add3A_240 = arith.addi %add3A_116, %add3A_239 : i32
        %add3A_241 = arith.constant 3 : i32
        %add3A_242 = arith.addi %add3A_240, %add3A_241 : i32
        %lt3A_243 = arith.constant 32 : i32
        %lt3A_244 = arith.cmpi slt, %add3A_242, %lt3A_243 : i32
        %convert_element_type3A_245 = arith.extui %lt3A_244 : i1 to i32
        %cond3A_246 = arith.constant 0 : i32
        %cond3A_247 = arith.cmpi ne, %convert_element_type3A_245, %cond3A_246 : i32
        scf.if %cond3A_247 {
          %add3A_248 = arith.constant 4 : i32
          %add3A_249 = arith.addi %add3A_116, %add3A_248 : i32
          %add3A_250 = arith.constant 3 : i32
          %add3A_251 = arith.addi %add3A_249, %add3A_250 : i32
          %dma_start3A_252 = arith.constant 0 : i32
          %dma_start3A_253 = tpu.memref_slice %arg7[%add3A_251, %dma_start3A_252] : memref<32x128xi32, #tpu.memory_space<vmem>> -> memref<1x128xi32, #tpu.memory_space<vmem>>
          %dma_start3A_254 = tpu.memref_squeeze %dma_start3A_253 : memref<1x128xi32, #tpu.memory_space<vmem>> -> memref<128xi32, #tpu.memory_space<vmem>>
          %dma_start3A_255 = arith.constant 0 : i32
          %dma_start3A_256 = arith.constant 0 : i32
          %dma_start3A_257 = tpu.memref_slice %arg14[%dma_start3A_255, %dma_start3A_256] : memref<10240x64xf32, #tpu.memory_space<vmem_shared>> -> memref<10240x64xf32, #tpu.memory_space<vmem_shared>>
          tpu.enqueue_indirect_dma source(%dma_start3A_257 : memref<10240x64xf32, #tpu.memory_space<vmem_shared>>) target(%arg12 : memref<128x64xf32, #tpu.memory_space<vmem>>) offsets(%dma_start3A_254 : memref<128xi32, #tpu.memory_space<vmem>>) semaphore(%arg19 : memref<!tpu.dma_semaphore, #tpu.memory_space<semaphore_mem>>)
        } else {
        }
      }
      %scan3A_111 = arith.constant 8 : i32
    }
    %scan3A_53 = arith.constant 5 : i32
    %barrier3A_54 = arith.constant 0 : index
    tpu.barrier barrier_id(%barrier3A_54)
    %lt3A_55 = arith.constant 15 : i32
    %lt3A_56 = arith.cmpi slt, %arg1, %lt3A_55 : i32
    %convert_element_type3A_57 = arith.extui %lt3A_56 : i1 to i32
    %cond3A_58 = arith.constant 0 : i32
    %cond3A_59 = arith.cmpi ne, %convert_element_type3A_57, %cond3A_58 : i32
    scf.if %cond3A_59 {
      %mul3A_65 = arith.constant 640 : i32
      %mul3A_66 = arith.muli %arg1, %mul3A_65 : i32
      %mul3A_67 = arith.constant 640 : i32
      %mul3A_68 = arith.muli %arg1, %mul3A_67 : i32
      %mul3A_69 = arith.constant 64 : i32
      %mul3A_70 = arith.muli %arg0, %mul3A_69 : i32
      "tpu.region"() ({
        %run_scoped3A = tpu.sem_alloc : memref<!tpu.dma_semaphore, #tpu.memory_space<semaphore_mem>>
        %dma_start3A = tpu.memref_slice %arg6[%mul3A_68, %mul3A_70] : memref<10000x128xf32, #tpu.memory_space<hbm>> -> memref<640x64xf32, #tpu.memory_space<hbm>>
        %dma_start3A_71 = arith.constant 0 : i32
        %dma_start3A_72 = tpu.memref_slice %arg15[%mul3A_66, %dma_start3A_71] : memref<10240x64xf32, #tpu.memory_space<vmem_shared>> -> memref<640x64xf32, #tpu.memory_space<vmem_shared>>
        tpu.enqueue_dma source(%dma_start3A_72 : memref<640x64xf32, #tpu.memory_space<vmem_shared>>) target(%dma_start3A : memref<640x64xf32, #tpu.memory_space<hbm>>) target_semaphore(%run_scoped3A : memref<!tpu.dma_semaphore, #tpu.memory_space<semaphore_mem>>)
        %dma_wait3A = tpu.memref_slice %arg6[%mul3A_68, %mul3A_70] : memref<10000x128xf32, #tpu.memory_space<hbm>> -> memref<640x64xf32, #tpu.memory_space<hbm>>
        %dma_wait3A_73 = arith.constant 0 : i32
        %dma_wait3A_74 = tpu.memref_slice %arg15[%mul3A_66, %dma_wait3A_73] : memref<10240x64xf32, #tpu.memory_space<vmem_shared>> -> memref<640x64xf32, #tpu.memory_space<vmem_shared>>
        tpu.wait_dma2 semaphore(%run_scoped3A : memref<!tpu.dma_semaphore, #tpu.memory_space<semaphore_mem>>) src(%dma_wait3A_74 : memref<640x64xf32, #tpu.memory_space<vmem_shared>>) dst(%dma_wait3A : memref<640x64xf32, #tpu.memory_space<hbm>>)
        tpu.yield
      }) : () -> ()
    } else {
    }
    %eq3A_60 = arith.constant 15 : i32
    %eq3A_61 = arith.cmpi eq, %arg1, %eq3A_60 : i32
    %convert_element_type3A_62 = arith.extui %eq3A_61 : i1 to i32
    %cond3A_63 = arith.constant 0 : i32
    %cond3A_64 = arith.cmpi ne, %convert_element_type3A_62, %cond3A_63 : i32
    scf.if %cond3A_64 {
      %mul3A_65 = arith.constant 64 : i32
      %mul3A_66 = arith.muli %arg0, %mul3A_65 : i32
      "tpu.region"() ({
        %run_scoped3A = tpu.sem_alloc : memref<!tpu.dma_semaphore, #tpu.memory_space<semaphore_mem>>
        %dma_start3A = arith.constant 9600 : i32
        %dma_start3A_67 = tpu.memref_slice %arg6[%dma_start3A, %mul3A_66] : memref<10000x128xf32, #tpu.memory_space<hbm>> -> memref<400x64xf32, #tpu.memory_space<hbm>>
        %dma_start3A_68 = arith.constant 9600 : i32
        %dma_start3A_69 = arith.constant 0 : i32
        %dma_start3A_70 = tpu.memref_slice %arg15[%dma_start3A_68, %dma_start3A_69] : memref<10240x64xf32, #tpu.memory_space<vmem_shared>> -> memref<400x64xf32, #tpu.memory_space<vmem_shared>>
        tpu.enqueue_dma source(%dma_start3A_70 : memref<400x64xf32, #tpu.memory_space<vmem_shared>>) target(%dma_start3A_67 : memref<400x64xf32, #tpu.memory_space<hbm>>) target_semaphore(%run_scoped3A : memref<!tpu.dma_semaphore, #tpu.memory_space<semaphore_mem>>)
        %dma_wait3A = arith.constant 9600 : i32
        %dma_wait3A_71 = tpu.memref_slice %arg6[%dma_wait3A, %mul3A_66] : memref<10000x128xf32, #tpu.memory_space<hbm>> -> memref<400x64xf32, #tpu.memory_space<hbm>>
        %dma_wait3A_72 = arith.constant 9600 : i32
        %dma_wait3A_73 = arith.constant 0 : i32
        %dma_wait3A_74 = tpu.memref_slice %arg15[%dma_wait3A_72, %dma_wait3A_73] : memref<10240x64xf32, #tpu.memory_space<vmem_shared>> -> memref<400x64xf32, #tpu.memory_space<vmem_shared>>
        tpu.wait_dma2 semaphore(%run_scoped3A : memref<!tpu.dma_semaphore, #tpu.memory_space<semaphore_mem>>) src(%dma_wait3A_74 : memref<400x64xf32, #tpu.memory_space<vmem_shared>>) dst(%dma_wait3A_71 : memref<400x64xf32, #tpu.memory_space<hbm>>)
        tpu.yield
      }) : () -> ()
    } else {
    }
    return
  }
}

#map = affine_map<(d0, d1) -> (0, 0)>
module attributes {stable_mosaic.version = 14 : i64} {
  func.func @_spmm_body(%arg0: i32, %arg1: i32, %arg2: memref<10000x128xf32, #tpu.memory_space<hbm>>, %arg3: memref<2560x128xi32, #tpu.memory_space<hbm>>, %arg4: memref<2560x128xi32, #tpu.memory_space<hbm>>, %arg5: memref<2x64xf32, #tpu.memory_space<hbm>>, %arg6: memref<10000x128xf32, #tpu.memory_space<hbm>>, %arg7: memref<32x128xi32, #tpu.memory_space<vmem>>, %arg8: memref<32x128xi32, #tpu.memory_space<vmem>>, %arg9: memref<128x64xf32, #tpu.memory_space<vmem>>, %arg10: memref<128x64xf32, #tpu.memory_space<vmem>>, %arg11: memref<128x64xf32, #tpu.memory_space<vmem>>, %arg12: memref<128x64xf32, #tpu.memory_space<vmem>>, %arg13: memref<64xf32, #tpu.memory_space<vmem>>, %arg14: memref<10240x64xf32, #tpu.memory_space<vmem_shared>>, %arg15: memref<10240x64xf32, #tpu.memory_space<vmem_shared>>, %arg16: memref<!tpu.dma_semaphore, #tpu.memory_space<semaphore_mem>>, %arg17: memref<!tpu.dma_semaphore, #tpu.memory_space<semaphore_mem>>, %arg18: memref<!tpu.dma_semaphore, #tpu.memory_space<semaphore_mem>>, %arg19: memref<!tpu.dma_semaphore, #tpu.memory_space<semaphore_mem>>, %arg20: memref<!tpu.dma_semaphore, #tpu.memory_space<semaphore_mem>>, %arg21: memref<!tpu.dma_semaphore, #tpu.memory_space<semaphore_mem>>, %arg22: memref<!tpu.dma_semaphore, #tpu.memory_space<semaphore_mem>>, %arg23: memref<!tpu.dma_semaphore, #tpu.memory_space<semaphore_mem>>) attributes {dimension_semantics = [#tpu.dimension_semantics<core_parallel>, #tpu.dimension_semantics<subcore_parallel>], iteration_bounds = array<i64: 2, 16>, scalar_prefetch = 0 : i64, scratch_operands = 17 : i64, tpu.core_type = #tpu.core_type<sc_vector_subcore>, window_params = [{transform_indices = #map}, {transform_indices = #map}, {transform_indices = #map}, {transform_indices = #map}, {transform_indices = #map}]} {
    %lt3A = arith.constant 15 : i32
    %lt3A_0 = arith.cmpi slt, %arg1, %lt3A : i32
    %convert_element_type3A = arith.extui %lt3A_0 : i1 to i32
    %cond3A = arith.constant 0 : i32
    %cond3A_1 = arith.cmpi ne, %convert_element_type3A, %cond3A : i32
    scf.if %cond3A_1 {
      %mul3A_65 = arith.constant 640 : i32
      %mul3A_66 = arith.muli %arg1, %mul3A_65 : i32
      %mul3A_67 = arith.constant 64 : i32
      %mul3A_68 = arith.muli %arg0, %mul3A_67 : i32
      %mul3A_69 = arith.constant 640 : i32
      %mul3A_70 = arith.muli %arg1, %mul3A_69 : i32
      %dma_start3A = arith.constant 0 : i32
      %dma_start3A_71 = tpu.memref_slice %arg14[%mul3A_70, %dma_start3A] : memref<10240x64xf32, #tpu.memory_space<vmem_shared>> -> memref<640x64xf32, #tpu.memory_space<vmem_shared>>
      %dma_start3A_72 = tpu.memref_slice %arg2[%mul3A_66, %mul3A_68] : memref<10000x128xf32, #tpu.memory_space<hbm>> -> memref<640x64xf32, #tpu.memory_space<hbm>>
      tpu.enqueue_dma source(%dma_start3A_72 : memref<640x64xf32, #tpu.memory_space<hbm>>) target(%dma_start3A_71 : memref<640x64xf32, #tpu.memory_space<vmem_shared>>) target_semaphore(%arg16 : memref<!tpu.dma_semaphore, #tpu.memory_space<semaphore_mem>>)
    } else {
    }
    %eq3A = arith.constant 15 : i32
    %eq3A_2 = arith.cmpi eq, %arg1, %eq3A : i32
    %convert_element_type3A_3 = arith.extui %eq3A_2 : i1 to i32
    %cond3A_4 = arith.constant 0 : i32
    %cond3A_5 = arith.cmpi ne, %convert_element_type3A_3, %cond3A_4 : i32
    scf.if %cond3A_5 {
      %mul3A_65 = arith.constant 64 : i32
      %mul3A_66 = arith.muli %arg0, %mul3A_65 : i32
      %dma_start3A = arith.constant 9600 : i32
      %dma_start3A_67 = arith.constant 0 : i32
      %dma_start3A_68 = tpu.memref_slice %arg14[%dma_start3A, %dma_start3A_67] : memref<10240x64xf32, #tpu.memory_space<vmem_shared>> -> memref<400x64xf32, #tpu.memory_space<vmem_shared>>
      %dma_start3A_69 = arith.constant 9600 : i32
      %dma_start3A_70 = tpu.memref_slice %arg2[%dma_start3A_69, %mul3A_66] : memref<10000x128xf32, #tpu.memory_space<hbm>> -> memref<400x64xf32, #tpu.memory_space<hbm>>
      tpu.enqueue_dma source(%dma_start3A_70 : memref<400x64xf32, #tpu.memory_space<hbm>>) target(%dma_start3A_68 : memref<400x64xf32, #tpu.memory_space<vmem_shared>>) target_semaphore(%arg16 : memref<!tpu.dma_semaphore, #tpu.memory_space<semaphore_mem>>)
    } else {
    }
    "tpu.region"() ({
      %run_scoped3A = tpu.sem_alloc : memref<!tpu.dma_semaphore, #tpu.memory_space<semaphore_mem>>
      %dma_start3A = arith.constant 0 : i32
      %dma_start3A_65 = tpu.memref_slice %arg5[%arg0, %dma_start3A] : memref<2x64xf32, #tpu.memory_space<hbm>> -> memref<1x64xf32, #tpu.memory_space<hbm>>
      %dma_start3A_66 = tpu.memref_squeeze %dma_start3A_65 : memref<1x64xf32, #tpu.memory_space<hbm>> -> memref<64xf32, #tpu.memory_space<hbm>>
      %dma_start3A_67 = arith.constant 0 : i32
      %dma_start3A_68 = tpu.memref_slice %arg5[%arg0, %dma_start3A_67] : memref<2x64xf32, #tpu.memory_space<hbm>> -> memref<1x64xf32, #tpu.memory_space<hbm>>
      %dma_start3A_69 = tpu.memref_squeeze %dma_start3A_68 : memref<1x64xf32, #tpu.memory_space<hbm>> -> memref<64xf32, #tpu.memory_space<hbm>>
      tpu.enqueue_dma source(%dma_start3A_69 : memref<64xf32, #tpu.memory_space<hbm>>) target(%arg13 : memref<64xf32, #tpu.memory_space<vmem>>) target_semaphore(%run_scoped3A : memref<!tpu.dma_semaphore, #tpu.memory_space<semaphore_mem>>)
      %dma_wait3A = arith.constant 0 : i32
      %dma_wait3A_70 = tpu.memref_slice %arg5[%arg0, %dma_wait3A] : memref<2x64xf32, #tpu.memory_space<hbm>> -> memref<1x64xf32, #tpu.memory_space<hbm>>
      %dma_wait3A_71 = tpu.memref_squeeze %dma_wait3A_70 : memref<1x64xf32, #tpu.memory_space<hbm>> -> memref<64xf32, #tpu.memory_space<hbm>>
      %dma_wait3A_72 = arith.constant 0 : i32
      %dma_wait3A_73 = tpu.memref_slice %arg5[%arg0, %dma_wait3A_72] : memref<2x64xf32, #tpu.memory_space<hbm>> -> memref<1x64xf32, #tpu.memory_space<hbm>>
      %dma_wait3A_74 = tpu.memref_squeeze %dma_wait3A_73 : memref<1x64xf32, #tpu.memory_space<hbm>> -> memref<64xf32, #tpu.memory_space<hbm>>
      tpu.wait_dma2 semaphore(%run_scoped3A : memref<!tpu.dma_semaphore, #tpu.memory_space<semaphore_mem>>) src(%dma_wait3A_74 : memref<64xf32, #tpu.memory_space<hbm>>) dst(%arg13 : memref<64xf32, #tpu.memory_space<vmem>>)
      tpu.yield
    }) : () -> ()
    %get3A = arith.constant 0 : index
    %get3A_6 = tpu.vector_load %arg13[%get3A] {strides = array<i32>} : memref<64xf32, #tpu.memory_space<vmem>>, vector<16xf32>,
    %get3A_7 = vector.shape_cast %get3A_6 : vector<16xf32> to vector<16xf32>
    %get3A_8 = arith.constant 16 : index
    %get3A_9 = tpu.vector_load %arg13[%get3A_8] {strides = array<i32>} : memref<64xf32, #tpu.memory_space<vmem>>, vector<16xf32>,
    %get3A_10 = vector.shape_cast %get3A_9 : vector<16xf32> to vector<16xf32>
    %get3A_11 = arith.constant 32 : index
    %get3A_12 = tpu.vector_load %arg13[%get3A_11] {strides = array<i32>} : memref<64xf32, #tpu.memory_space<vmem>>, vector<16xf32>,
    %get3A_13 = vector.shape_cast %get3A_12 : vector<16xf32> to vector<16xf32>
    %get3A_14 = arith.constant 48 : index
    %get3A_15 = tpu.vector_load %arg13[%get3A_14] {strides = array<i32>} : memref<64xf32, #tpu.memory_space<vmem>>, vector<16xf32>,
    %get3A_16 = vector.shape_cast %get3A_15 : vector<16xf32> to vector<16xf32>
    %scan3A = arith.constant 0 : i32
    %scan3A_17 = arith.constant 128 : i32
    %scan3A_18 = arith.addi %scan3A, %scan3A_17 : i32
    %scan3A_19 = arith.constant 1 : i32
    scf.for %scan3A_65 = %scan3A to %scan3A_18 step %scan3A_19  : i32 {
      %mul3A_66 = arith.constant 1 : i32
      %mul3A_67 = arith.muli %scan3A_65, %mul3A_66 : i32
      %add3A_68 = arith.constant 0 : i32
      %add3A_69 = arith.addi %add3A_68, %mul3A_67 : i32
      %swap3A = arith.index_cast %add3A_69 : i32 to index
      %swap3A_70 = arith.constant 0 : index
      %swap3A_71 = tpu.vector_load %arg9[%swap3A, %swap3A_70] {strides = array<i32>} : memref<128x64xf32, #tpu.memory_space<vmem>>, vector<1x16xf32>,
      %swap3A_72 = vector.shape_cast %swap3A_71 : vector<1x16xf32> to vector<16xf32>
      %swap3A_73 = vector.shape_cast %get3A_7 : vector<16xf32> to vector<1x16xf32>
      tpu.vector_store %arg9[%swap3A, %swap3A_70], %swap3A_73 {strides = array<i32>} : memref<128x64xf32, #tpu.memory_space<vmem>>, vector<1x16xf32>,
      %swap3A_74 = arith.index_cast %add3A_69 : i32 to index
      %swap3A_75 = arith.constant 16 : index
      %swap3A_76 = tpu.vector_load %arg9[%swap3A_74, %swap3A_75] {strides = array<i32>} : memref<128x64xf32, #tpu.memory_space<vmem>>, vector<1x16xf32>,
      %swap3A_77 = vector.shape_cast %swap3A_76 : vector<1x16xf32> to vector<16xf32>
      %swap3A_78 = vector.shape_cast %get3A_10 : vector<16xf32> to vector<1x16xf32>
      tpu.vector_store %arg9[%swap3A_74, %swap3A_75], %swap3A_78 {strides = array<i32>} : memref<128x64xf32, #tpu.memory_space<vmem>>, vector<1x16xf32>,
      %swap3A_79 = arith.index_cast %add3A_69 : i32 to index
      %swap3A_80 = arith.constant 32 : index
      %swap3A_81 = tpu.vector_load %arg9[%swap3A_79, %swap3A_80] {strides = array<i32>} : memref<128x64xf32, #tpu.memory_space<vmem>>, vector<1x16xf32>,
      %swap3A_82 = vector.shape_cast %swap3A_81 : vector<1x16xf32> to vector<16xf32>
      %swap3A_83 = vector.shape_cast %get3A_13 : vector<16xf32> to vector<1x16xf32>
      tpu.vector_store %arg9[%swap3A_79, %swap3A_80], %swap3A_83 {strides = array<i32>} : memref<128x64xf32, #tpu.memory_space<vmem>>, vector<1x16xf32>,
      %swap3A_84 = arith.index_cast %add3A_69 : i32 to index
      %swap3A_85 = arith.constant 48 : index
      %swap3A_86 = tpu.vector_load %arg9[%swap3A_84, %swap3A_85] {strides = array<i32>} : memref<128x64xf32, #tpu.memory_space<vmem>>, vector<1x16xf32>,
      %swap3A_87 = vector.shape_cast %swap3A_86 : vector<1x16xf32> to vector<16xf32>
      %swap3A_88 = vector.shape_cast %get3A_16 : vector<16xf32> to vector<1x16xf32>
      tpu.vector_store %arg9[%swap3A_84, %swap3A_85], %swap3A_88 {strides = array<i32>} : memref<128x64xf32, #tpu.memory_space<vmem>>, vector<1x16xf32>,
    }
    %scan3A_20 = arith.constant 128 : i32
    %mul3A = arith.constant 640 : i32
    %mul3A_21 = arith.muli %arg1, %mul3A : i32
    %add3A = arith.constant 0 : i32
    %add3A_22 = arith.addi %mul3A_21, %add3A : i32
    "tpu.region"() ({
      %run_scoped3A = tpu.sem_alloc : memref<!tpu.dma_semaphore, #tpu.memory_space<semaphore_mem>>
      %dma_start3A = arith.constant 0 : i32
      %dma_start3A_65 = tpu.memref_slice %arg15[%add3A_22, %dma_start3A] : memref<10240x64xf32, #tpu.memory_space<vmem_shared>> -> memref<128x64xf32, #tpu.memory_space<vmem_shared>>
      %dma_start3A_66 = arith.constant 0 : i32
      %dma_start3A_67 = tpu.memref_slice %arg15[%add3A_22, %dma_start3A_66] : memref<10240x64xf32, #tpu.memory_space<vmem_shared>> -> memref<128x64xf32, #tpu.memory_space<vmem_shared>>
      tpu.enqueue_dma source(%arg9 : memref<128x64xf32, #tpu.memory_space<vmem>>) target(%dma_start3A_67 : memref<128x64xf32, #tpu.memory_space<vmem_shared>>) target_semaphore(%run_scoped3A : memref<!tpu.dma_semaphore, #tpu.memory_space<semaphore_mem>>)
      %dma_wait3A = arith.constant 0 : i32
      %dma_wait3A_68 = tpu.memref_slice %arg15[%add3A_22, %dma_wait3A] : memref<10240x64xf32, #tpu.memory_space<vmem_shared>> -> memref<128x64xf32, #tpu.memory_space<vmem_shared>>
      %dma_wait3A_69 = arith.constant 0 : i32
      %dma_wait3A_70 = tpu.memref_slice %arg15[%add3A_22, %dma_wait3A_69] : memref<10240x64xf32, #tpu.memory_space<vmem_shared>> -> memref<128x64xf32, #tpu.memory_space<vmem_shared>>
      tpu.wait_dma2 semaphore(%run_scoped3A : memref<!tpu.dma_semaphore, #tpu.memory_space<semaphore_mem>>) src(%arg9 : memref<128x64xf32, #tpu.memory_space<vmem>>) dst(%dma_wait3A_70 : memref<128x64xf32, #tpu.memory_space<vmem_shared>>)
      tpu.yield
    }) : () -> ()
    %mul3A_23 = arith.constant 640 : i32
    %mul3A_24 = arith.muli %arg1, %mul3A_23 : i32
    %add3A_25 = arith.constant 128 : i32
    %add3A_26 = arith.addi %mul3A_24, %add3A_25 : i32
    "tpu.region"() ({
      %run_scoped3A = tpu.sem_alloc : memref<!tpu.dma_semaphore, #tpu.memory_space<semaphore_mem>>
      %dma_start3A = arith.constant 0 : i32
      %dma_start3A_65 = tpu.memref_slice %arg15[%add3A_26, %dma_start3A] : memref<10240x64xf32, #tpu.memory_space<vmem_shared>> -> memref<128x64xf32, #tpu.memory_space<vmem_shared>>
      %dma_start3A_66 = arith.constant 0 : i32
      %dma_start3A_67 = tpu.memref_slice %arg15[%add3A_26, %dma_start3A_66] : memref<10240x64xf32, #tpu.memory_space<vmem_shared>> -> memref<128x64xf32, #tpu.memory_space<vmem_shared>>
      tpu.enqueue_dma source(%arg9 : memref<128x64xf32, #tpu.memory_space<vmem>>) target(%dma_start3A_67 : memref<128x64xf32, #tpu.memory_space<vmem_shared>>) target_semaphore(%run_scoped3A : memref<!tpu.dma_semaphore, #tpu.memory_space<semaphore_mem>>)
      %dma_wait3A = arith.constant 0 : i32
      %dma_wait3A_68 = tpu.memref_slice %arg15[%add3A_26, %dma_wait3A] : memref<10240x64xf32, #tpu.memory_space<vmem_shared>> -> memref<128x64xf32, #tpu.memory_space<vmem_shared>>
      %dma_wait3A_69 = arith.constant 0 : i32
      %dma_wait3A_70 = tpu.memref_slice %arg15[%add3A_26, %dma_wait3A_69] : memref<10240x64xf32, #tpu.memory_space<vmem_shared>> -> memref<128x64xf32, #tpu.memory_space<vmem_shared>>
      tpu.wait_dma2 semaphore(%run_scoped3A : memref<!tpu.dma_semaphore, #tpu.memory_space<semaphore_mem>>) src(%arg9 : memref<128x64xf32, #tpu.memory_space<vmem>>) dst(%dma_wait3A_70 : memref<128x64xf32, #tpu.memory_space<vmem_shared>>)
      tpu.yield
    }) : () -> ()
    %mul3A_27 = arith.constant 640 : i32
    %mul3A_28 = arith.muli %arg1, %mul3A_27 : i32
    %add3A_29 = arith.constant 256 : i32
    %add3A_30 = arith.addi %mul3A_28, %add3A_29 : i32
    "tpu.region"() ({
      %run_scoped3A = tpu.sem_alloc : memref<!tpu.dma_semaphore, #tpu.memory_space<semaphore_mem>>
      %dma_start3A = arith.constant 0 : i32
      %dma_start3A_65 = tpu.memref_slice %arg15[%add3A_30, %dma_start3A] : memref<10240x64xf32, #tpu.memory_space<vmem_shared>> -> memref<128x64xf32, #tpu.memory_space<vmem_shared>>
      %dma_start3A_66 = arith.constant 0 : i32
      %dma_start3A_67 = tpu.memref_slice %arg15[%add3A_30, %dma_start3A_66] : memref<10240x64xf32, #tpu.memory_space<vmem_shared>> -> memref<128x64xf32, #tpu.memory_space<vmem_shared>>
      tpu.enqueue_dma source(%arg9 : memref<128x64xf32, #tpu.memory_space<vmem>>) target(%dma_start3A_67 : memref<128x64xf32, #tpu.memory_space<vmem_shared>>) target_semaphore(%run_scoped3A : memref<!tpu.dma_semaphore, #tpu.memory_space<semaphore_mem>>)
      %dma_wait3A = arith.constant 0 : i32
      %dma_wait3A_68 = tpu.memref_slice %arg15[%add3A_30, %dma_wait3A] : memref<10240x64xf32, #tpu.memory_space<vmem_shared>> -> memref<128x64xf32, #tpu.memory_space<vmem_shared>>
      %dma_wait3A_69 = arith.constant 0 : i32
      %dma_wait3A_70 = tpu.memref_slice %arg15[%add3A_30, %dma_wait3A_69] : memref<10240x64xf32, #tpu.memory_space<vmem_shared>> -> memref<128x64xf32, #tpu.memory_space<vmem_shared>>
      tpu.wait_dma2 semaphore(%run_scoped3A : memref<!tpu.dma_semaphore, #tpu.memory_space<semaphore_mem>>) src(%arg9 : memref<128x64xf32, #tpu.memory_space<vmem>>) dst(%dma_wait3A_70 : memref<128x64xf32, #tpu.memory_space<vmem_shared>>)
      tpu.yield
    }) : () -> ()
    %mul3A_31 = arith.constant 640 : i32
    %mul3A_32 = arith.muli %arg1, %mul3A_31 : i32
    %add3A_33 = arith.constant 384 : i32
    %add3A_34 = arith.addi %mul3A_32, %add3A_33 : i32
    "tpu.region"() ({
      %run_scoped3A = tpu.sem_alloc : memref<!tpu.dma_semaphore, #tpu.memory_space<semaphore_mem>>
      %dma_start3A = arith.constant 0 : i32
      %dma_start3A_65 = tpu.memref_slice %arg15[%add3A_34, %dma_start3A] : memref<10240x64xf32, #tpu.memory_space<vmem_shared>> -> memref<128x64xf32, #tpu.memory_space<vmem_shared>>
      %dma_start3A_66 = arith.constant 0 : i32
      %dma_start3A_67 = tpu.memref_slice %arg15[%add3A_34, %dma_start3A_66] : memref<10240x64xf32, #tpu.memory_space<vmem_shared>> -> memref<128x64xf32, #tpu.memory_space<vmem_shared>>
      tpu.enqueue_dma source(%arg9 : memref<128x64xf32, #tpu.memory_space<vmem>>) target(%dma_start3A_67 : memref<128x64xf32, #tpu.memory_space<vmem_shared>>) target_semaphore(%run_scoped3A : memref<!tpu.dma_semaphore, #tpu.memory_space<semaphore_mem>>)
      %dma_wait3A = arith.constant 0 : i32
      %dma_wait3A_68 = tpu.memref_slice %arg15[%add3A_34, %dma_wait3A] : memref<10240x64xf32, #tpu.memory_space<vmem_shared>> -> memref<128x64xf32, #tpu.memory_space<vmem_shared>>
      %dma_wait3A_69 = arith.constant 0 : i32
      %dma_wait3A_70 = tpu.memref_slice %arg15[%add3A_34, %dma_wait3A_69] : memref<10240x64xf32, #tpu.memory_space<vmem_shared>> -> memref<128x64xf32, #tpu.memory_space<vmem_shared>>
      tpu.wait_dma2 semaphore(%run_scoped3A : memref<!tpu.dma_semaphore, #tpu.memory_space<semaphore_mem>>) src(%arg9 : memref<128x64xf32, #tpu.memory_space<vmem>>) dst(%dma_wait3A_70 : memref<128x64xf32, #tpu.memory_space<vmem_shared>>)
      tpu.yield
    }) : () -> ()
    %mul3A_35 = arith.constant 640 : i32
    %mul3A_36 = arith.muli %arg1, %mul3A_35 : i32
    %add3A_37 = arith.constant 512 : i32
    %add3A_38 = arith.addi %mul3A_36, %add3A_37 : i32
    "tpu.region"() ({
      %run_scoped3A = tpu.sem_alloc : memref<!tpu.dma_semaphore, #tpu.memory_space<semaphore_mem>>
      %dma_start3A = arith.constant 0 : i32
      %dma_start3A_65 = tpu.memref_slice %arg15[%add3A_38, %dma_start3A] : memref<10240x64xf32, #tpu.memory_space<vmem_shared>> -> memref<128x64xf32, #tpu.memory_space<vmem_shared>>
      %dma_start3A_66 = arith.constant 0 : i32
      %dma_start3A_67 = tpu.memref_slice %arg15[%add3A_38, %dma_start3A_66] : memref<10240x64xf32, #tpu.memory_space<vmem_shared>> -> memref<128x64xf32, #tpu.memory_space<vmem_shared>>
      tpu.enqueue_dma source(%arg9 : memref<128x64xf32, #tpu.memory_space<vmem>>) target(%dma_start3A_67 : memref<128x64xf32, #tpu.memory_space<vmem_shared>>) target_semaphore(%run_scoped3A : memref<!tpu.dma_semaphore, #tpu.memory_space<semaphore_mem>>)
      %dma_wait3A = arith.constant 0 : i32
      %dma_wait3A_68 = tpu.memref_slice %arg15[%add3A_38, %dma_wait3A] : memref<10240x64xf32, #tpu.memory_space<vmem_shared>> -> memref<128x64xf32, #tpu.memory_space<vmem_shared>>
      %dma_wait3A_69 = arith.constant 0 : i32
      %dma_wait3A_70 = tpu.memref_slice %arg15[%add3A_38, %dma_wait3A_69] : memref<10240x64xf32, #tpu.memory_space<vmem_shared>> -> memref<128x64xf32, #tpu.memory_space<vmem_shared>>
      tpu.wait_dma2 semaphore(%run_scoped3A : memref<!tpu.dma_semaphore, #tpu.memory_space<semaphore_mem>>) src(%arg9 : memref<128x64xf32, #tpu.memory_space<vmem>>) dst(%dma_wait3A_70 : memref<128x64xf32, #tpu.memory_space<vmem_shared>>)
      tpu.yield
    }) : () -> ()
    %lt3A_39 = arith.constant 15 : i32
    %lt3A_40 = arith.cmpi slt, %arg1, %lt3A_39 : i32
    %convert_element_type3A_41 = arith.extui %lt3A_40 : i1 to i32
    %cond3A_42 = arith.constant 0 : i32
    %cond3A_43 = arith.cmpi ne, %convert_element_type3A_41, %cond3A_42 : i32
    scf.if %cond3A_43 {
      %mul3A_65 = arith.constant 640 : i32
      %mul3A_66 = arith.muli %arg1, %mul3A_65 : i32
      %mul3A_67 = arith.constant 64 : i32
      %mul3A_68 = arith.muli %arg0, %mul3A_67 : i32
      %mul3A_69 = arith.constant 640 : i32
      %mul3A_70 = arith.muli %arg1, %mul3A_69 : i32
      %dma_wait3A = arith.constant 0 : i32
      %dma_wait3A_71 = tpu.memref_slice %arg14[%mul3A_70, %dma_wait3A] : memref<10240x64xf32, #tpu.memory_space<vmem_shared>> -> memref<640x64xf32, #tpu.memory_space<vmem_shared>>
      %dma_wait3A_72 = tpu.memref_slice %arg2[%mul3A_66, %mul3A_68] : memref<10000x128xf32, #tpu.memory_space<hbm>> -> memref<640x64xf32, #tpu.memory_space<hbm>>
      tpu.wait_dma2 semaphore(%arg16 : memref<!tpu.dma_semaphore, #tpu.memory_space<semaphore_mem>>) src(%dma_wait3A_72 : memref<640x64xf32, #tpu.memory_space<hbm>>) dst(%dma_wait3A_71 : memref<640x64xf32, #tpu.memory_space<vmem_shared>>)
    } else {
    }
    %eq3A_44 = arith.constant 15 : i32
    %eq3A_45 = arith.cmpi eq, %arg1, %eq3A_44 : i32
    %convert_element_type3A_46 = arith.extui %eq3A_45 : i1 to i32
    %cond3A_47 = arith.constant 0 : i32
    %cond3A_48 = arith.cmpi ne, %convert_element_type3A_46, %cond3A_47 : i32
    scf.if %cond3A_48 {
      %mul3A_65 = arith.constant 64 : i32
      %mul3A_66 = arith.muli %arg0, %mul3A_65 : i32
      %dma_wait3A = arith.constant 9600 : i32
      %dma_wait3A_67 = arith.constant 0 : i32
      %dma_wait3A_68 = tpu.memref_slice %arg14[%dma_wait3A, %dma_wait3A_67] : memref<10240x64xf32, #tpu.memory_space<vmem_shared>> -> memref<400x64xf32, #tpu.memory_space<vmem_shared>>
      %dma_wait3A_69 = arith.constant 9600 : i32
      %dma_wait3A_70 = tpu.memref_slice %arg2[%dma_wait3A_69, %mul3A_66] : memref<10000x128xf32, #tpu.memory_space<hbm>> -> memref<400x64xf32, #tpu.memory_space<hbm>>
      tpu.wait_dma2 semaphore(%arg16 : memref<!tpu.dma_semaphore, #tpu.memory_space<semaphore_mem>>) src(%dma_wait3A_70 : memref<400x64xf32, #tpu.memory_space<hbm>>) dst(%dma_wait3A_68 : memref<400x64xf32, #tpu.memory_space<vmem_shared>>)
    } else {
    }
    %barrier3A = arith.constant 0 : index
    tpu.barrier barrier_id(%barrier3A)
    %scan3A_49 = arith.constant 0 : i32
    %scan3A_50 = arith.constant 5 : i32
    %scan3A_51 = arith.addi %scan3A_49, %scan3A_50 : i32
    %scan3A_52 = arith.constant 1 : i32
    scf.for %scan3A_65 = %scan3A_49 to %scan3A_51 step %scan3A_52  : i32 {
      %mul3A_66 = arith.constant 1 : i32
      %mul3A_67 = arith.muli %scan3A_65, %mul3A_66 : i32
      %add3A_68 = arith.constant 0 : i32
      %add3A_69 = arith.addi %add3A_68, %mul3A_67 : i32
      %mul3A_70 = arith.constant 160 : i32
      %mul3A_71 = arith.muli %arg1, %mul3A_70 : i32
      %mul3A_72 = arith.constant 32 : i32
      %mul3A_73 = arith.muli %add3A_69, %mul3A_72 : i32
      %add3A_74 = arith.addi %mul3A_71, %mul3A_73 : i32
      "tpu.region"() ({
        %run_scoped3A = tpu.sem_alloc : memref<!tpu.dma_semaphore, #tpu.memory_space<semaphore_mem>>
        %dma_start3A_112 = arith.constant 0 : i32
        %dma_start3A_113 = tpu.memref_slice %arg3[%add3A_74, %dma_start3A_112] : memref<2560x128xi32, #tpu.memory_space<hbm>> -> memref<32x128xi32, #tpu.memory_space<hbm>>
        %dma_start3A_114 = arith.constant 0 : i32
        %dma_start3A_115 = tpu.memref_slice %arg3[%add3A_74, %dma_start3A_114] : memref<2560x128xi32, #tpu.memory_space<hbm>> -> memref<32x128xi32, #tpu.memory_space<hbm>>
        tpu.enqueue_dma source(%dma_start3A_115 : memref<32x128xi32, #tpu.memory_space<hbm>>) target(%arg7 : memref<32x128xi32, #tpu.memory_space<vmem>>) target_semaphore(%run_scoped3A : memref<!tpu.dma_semaphore, #tpu.memory_space<semaphore_mem>>)
        %dma_wait3A = arith.constant 0 : i32
        %dma_wait3A_116 = tpu.memref_slice %arg3[%add3A_74, %dma_wait3A] : memref<2560x128xi32, #tpu.memory_space<hbm>> -> memref<32x128xi32, #tpu.memory_space<hbm>>
        %dma_wait3A_117 = arith.constant 0 : i32
        %dma_wait3A_118 = tpu.memref_slice %arg3[%add3A_74, %dma_wait3A_117] : memref<2560x128xi32, #tpu.memory_space<hbm>> -> memref<32x128xi32, #tpu.memory_space<hbm>>
        tpu.wait_dma2 semaphore(%run_scoped3A : memref<!tpu.dma_semaphore, #tpu.memory_space<semaphore_mem>>) src(%dma_wait3A_118 : memref<32x128xi32, #tpu.memory_space<hbm>>) dst(%arg7 : memref<32x128xi32, #tpu.memory_space<vmem>>)
        tpu.yield
      }) : () -> ()
      %mul3A_75 = arith.constant 160 : i32
      %mul3A_76 = arith.muli %arg1, %mul3A_75 : i32
      %mul3A_77 = arith.constant 32 : i32
      %mul3A_78 = arith.muli %add3A_69, %mul3A_77 : i32
      %add3A_79 = arith.addi %mul3A_76, %mul3A_78 : i32
      "tpu.region"() ({
        %run_scoped3A = tpu.sem_alloc : memref<!tpu.dma_semaphore, #tpu.memory_space<semaphore_mem>>
        %dma_start3A_112 = arith.constant 0 : i32
        %dma_start3A_113 = tpu.memref_slice %arg4[%add3A_79, %dma_start3A_112] : memref<2560x128xi32, #tpu.memory_space<hbm>> -> memref<32x128xi32, #tpu.memory_space<hbm>>
        %dma_start3A_114 = arith.constant 0 : i32
        %dma_start3A_115 = tpu.memref_slice %arg4[%add3A_79, %dma_start3A_114] : memref<2560x128xi32, #tpu.memory_space<hbm>> -> memref<32x128xi32, #tpu.memory_space<hbm>>
        tpu.enqueue_dma source(%dma_start3A_115 : memref<32x128xi32, #tpu.memory_space<hbm>>) target(%arg8 : memref<32x128xi32, #tpu.memory_space<vmem>>) target_semaphore(%run_scoped3A : memref<!tpu.dma_semaphore, #tpu.memory_space<semaphore_mem>>)
        %dma_wait3A = arith.constant 0 : i32
        %dma_wait3A_116 = tpu.memref_slice %arg4[%add3A_79, %dma_wait3A] : memref<2560x128xi32, #tpu.memory_space<hbm>> -> memref<32x128xi32, #tpu.memory_space<hbm>>
        %dma_wait3A_117 = arith.constant 0 : i32
        %dma_wait3A_118 = tpu.memref_slice %arg4[%add3A_79, %dma_wait3A_117] : memref<2560x128xi32, #tpu.memory_space<hbm>> -> memref<32x128xi32, #tpu.memory_space<hbm>>
        tpu.wait_dma2 semaphore(%run_scoped3A : memref<!tpu.dma_semaphore, #tpu.memory_space<semaphore_mem>>) src(%dma_wait3A_118 : memref<32x128xi32, #tpu.memory_space<hbm>>) dst(%arg8 : memref<32x128xi32, #tpu.memory_space<vmem>>)
        tpu.yield
      }) : () -> ()
      %dma_start3A = arith.constant 0 : i32
      %dma_start3A_80 = arith.constant 0 : i32
      %dma_start3A_81 = tpu.memref_slice %arg7[%dma_start3A, %dma_start3A_80] : memref<32x128xi32, #tpu.memory_space<vmem>> -> memref<1x128xi32, #tpu.memory_space<vmem>>
      %dma_start3A_82 = tpu.memref_squeeze %dma_start3A_81 : memref<1x128xi32, #tpu.memory_space<vmem>> -> memref<128xi32, #tpu.memory_space<vmem>>
      %dma_start3A_83 = arith.constant 0 : i32
      %dma_start3A_84 = arith.constant 0 : i32
      %dma_start3A_85 = tpu.memref_slice %arg14[%dma_start3A_83, %dma_start3A_84] : memref<10240x64xf32, #tpu.memory_space<vmem_shared>> -> memref<10240x64xf32, #tpu.memory_space<vmem_shared>>
      tpu.enqueue_indirect_dma source(%dma_start3A_85 : memref<10240x64xf32, #tpu.memory_space<vmem_shared>>) target(%arg9 : memref<128x64xf32, #tpu.memory_space<vmem>>) offsets(%dma_start3A_82 : memref<128xi32, #tpu.memory_space<vmem>>) semaphore(%arg16 : memref<!tpu.dma_semaphore, #tpu.memory_space<semaphore_mem>>)
      %dma_start3A_86 = arith.constant 1 : i32
      %dma_start3A_87 = arith.constant 0 : i32
      %dma_start3A_88 = tpu.memref_slice %arg7[%dma_start3A_86, %dma_start3A_87] : memref<32x128xi32, #tpu.memory_space<vmem>> -> memref<1x128xi32, #tpu.memory_space<vmem>>
      %dma_start3A_89 = tpu.memref_squeeze %dma_start3A_88 : memref<1x128xi32, #tpu.memory_space<vmem>> -> memref<128xi32, #tpu.memory_space<vmem>>
      %dma_start3A_90 = arith.constant 0 : i32
      %dma_start3A_91 = arith.constant 0 : i32
      %dma_start3A_92 = tpu.memref_slice %arg14[%dma_start3A_90, %dma_start3A_91] : memref<10240x64xf32, #tpu.memory_space<vmem_shared>> -> memref<10240x64xf32, #tpu.memory_space<vmem_shared>>
      tpu.enqueue_indirect_dma source(%dma_start3A_92 : memref<10240x64xf32, #tpu.memory_space<vmem_shared>>) target(%arg10 : memref<128x64xf32, #tpu.memory_space<vmem>>) offsets(%dma_start3A_89 : memref<128xi32, #tpu.memory_space<vmem>>) semaphore(%arg17 : memref<!tpu.dma_semaphore, #tpu.memory_space<semaphore_mem>>)
      %dma_start3A_93 = arith.constant 2 : i32
      %dma_start3A_94 = arith.constant 0 : i32
      %dma_start3A_95 = tpu.memref_slice %arg7[%dma_start3A_93, %dma_start3A_94] : memref<32x128xi32, #tpu.memory_space<vmem>> -> memref<1x128xi32, #tpu.memory_space<vmem>>
      %dma_start3A_96 = tpu.memref_squeeze %dma_start3A_95 : memref<1x128xi32, #tpu.memory_space<vmem>> -> memref<128xi32, #tpu.memory_space<vmem>>
      %dma_start3A_97 = arith.constant 0 : i32
      %dma_start3A_98 = arith.constant 0 : i32
      %dma_start3A_99 = tpu.memref_slice %arg14[%dma_start3A_97, %dma_start3A_98] : memref<10240x64xf32, #tpu.memory_space<vmem_shared>> -> memref<10240x64xf32, #tpu.memory_space<vmem_shared>>
      tpu.enqueue_indirect_dma source(%dma_start3A_99 : memref<10240x64xf32, #tpu.memory_space<vmem_shared>>) target(%arg11 : memref<128x64xf32, #tpu.memory_space<vmem>>) offsets(%dma_start3A_96 : memref<128xi32, #tpu.memory_space<vmem>>) semaphore(%arg18 : memref<!tpu.dma_semaphore, #tpu.memory_space<semaphore_mem>>)
      %dma_start3A_100 = arith.constant 3 : i32
      %dma_start3A_101 = arith.constant 0 : i32
      %dma_start3A_102 = tpu.memref_slice %arg7[%dma_start3A_100, %dma_start3A_101] : memref<32x128xi32, #tpu.memory_space<vmem>> -> memref<1x128xi32, #tpu.memory_space<vmem>>
      %dma_start3A_103 = tpu.memref_squeeze %dma_start3A_102 : memref<1x128xi32, #tpu.memory_space<vmem>> -> memref<128xi32, #tpu.memory_space<vmem>>
      %dma_start3A_104 = arith.constant 0 : i32
      %dma_start3A_105 = arith.constant 0 : i32
      %dma_start3A_106 = tpu.memref_slice %arg14[%dma_start3A_104, %dma_start3A_105] : memref<10240x64xf32, #tpu.memory_space<vmem_shared>> -> memref<10240x64xf32, #tpu.memory_space<vmem_shared>>
      tpu.enqueue_indirect_dma source(%dma_start3A_106 : memref<10240x64xf32, #tpu.memory_space<vmem_shared>>) target(%arg12 : memref<128x64xf32, #tpu.memory_space<vmem>>) offsets(%dma_start3A_103 : memref<128xi32, #tpu.memory_space<vmem>>) semaphore(%arg19 : memref<!tpu.dma_semaphore, #tpu.memory_space<semaphore_mem>>)
      %scan3A_107 = arith.constant 0 : i32
      %scan3A_108 = arith.constant 8 : i32
      %scan3A_109 = arith.addi %scan3A_107, %scan3A_108 : i32
      %scan3A_110 = arith.constant 1 : i32
      scf.for %scan3A_112 = %scan3A_107 to %scan3A_109 step %scan3A_110  : i32 {
        %mul3A_113 = arith.constant 4 : i32
        %mul3A_114 = arith.muli %scan3A_112, %mul3A_113 : i32
        %add3A_115 = arith.constant 0 : i32
        %add3A_116 = arith.addi %add3A_115, %mul3A_114 : i32
        %add3A_117 = arith.constant 0 : i32
        %add3A_118 = arith.addi %add3A_116, %add3A_117 : i32
        %dma_wait3A = arith.constant 0 : i32
        %dma_wait3A_119 = tpu.memref_slice %arg7[%add3A_118, %dma_wait3A] : memref<32x128xi32, #tpu.memory_space<vmem>> -> memref<1x128xi32, #tpu.memory_space<vmem>>
        %dma_wait3A_120 = tpu.memref_squeeze %dma_wait3A_119 : memref<1x128xi32, #tpu.memory_space<vmem>> -> memref<128xi32, #tpu.memory_space<vmem>>
        %dma_wait3A_121 = arith.constant 0 : i32
        %dma_wait3A_122 = arith.constant 0 : i32
        %dma_wait3A_123 = tpu.memref_slice %arg14[%dma_wait3A_121, %dma_wait3A_122] : memref<10240x64xf32, #tpu.memory_space<vmem_shared>> -> memref<10240x64xf32, #tpu.memory_space<vmem_shared>>
        tpu.wait_indirect_dma semaphore(%arg16 : memref<!tpu.dma_semaphore, #tpu.memory_space<semaphore_mem>>) src(%dma_wait3A_123 : memref<10240x64xf32, #tpu.memory_space<vmem_shared>>) dst(%arg9 : memref<128x64xf32, #tpu.memory_space<vmem>>)
        %add3A_124 = arith.constant 0 : i32
        %add3A_125 = arith.addi %add3A_116, %add3A_124 : i32
        %dma_start3A_126 = arith.constant 0 : i32
        %dma_start3A_127 = tpu.memref_slice %arg8[%add3A_125, %dma_start3A_126] : memref<32x128xi32, #tpu.memory_space<vmem>> -> memref<1x128xi32, #tpu.memory_space<vmem>>
        %dma_start3A_128 = tpu.memref_squeeze %dma_start3A_127 : memref<1x128xi32, #tpu.memory_space<vmem>> -> memref<128xi32, #tpu.memory_space<vmem>>
        %dma_start3A_129 = arith.constant 0 : i32
        %dma_start3A_130 = arith.constant 0 : i32
        %dma_start3A_131 = tpu.memref_slice %arg15[%dma_start3A_129, %dma_start3A_130] : memref<10240x64xf32, #tpu.memory_space<vmem_shared>> -> memref<10240x64xf32, #tpu.memory_space<vmem_shared>>
        tpu.enqueue_indirect_dma source(%arg9 : memref<128x64xf32, #tpu.memory_space<vmem>>) target(%dma_start3A_131 : memref<10240x64xf32, #tpu.memory_space<vmem_shared>>) offsets(%dma_start3A_128 : memref<128xi32, #tpu.memory_space<vmem>>) semaphore(%arg20 : memref<!tpu.dma_semaphore, #tpu.memory_space<semaphore_mem>>) {add = true}
        %add3A_132 = arith.constant 1 : i32
        %add3A_133 = arith.addi %add3A_116, %add3A_132 : i32
        %dma_wait3A_134 = arith.constant 0 : i32
        %dma_wait3A_135 = tpu.memref_slice %arg7[%add3A_133, %dma_wait3A_134] : memref<32x128xi32, #tpu.memory_space<vmem>> -> memref<1x128xi32, #tpu.memory_space<vmem>>
        %dma_wait3A_136 = tpu.memref_squeeze %dma_wait3A_135 : memref<1x128xi32, #tpu.memory_space<vmem>> -> memref<128xi32, #tpu.memory_space<vmem>>
        %dma_wait3A_137 = arith.constant 0 : i32
        %dma_wait3A_138 = arith.constant 0 : i32
        %dma_wait3A_139 = tpu.memref_slice %arg14[%dma_wait3A_137, %dma_wait3A_138] : memref<10240x64xf32, #tpu.memory_space<vmem_shared>> -> memref<10240x64xf32, #tpu.memory_space<vmem_shared>>
        tpu.wait_indirect_dma semaphore(%arg17 : memref<!tpu.dma_semaphore, #tpu.memory_space<semaphore_mem>>) src(%dma_wait3A_139 : memref<10240x64xf32, #tpu.memory_space<vmem_shared>>) dst(%arg10 : memref<128x64xf32, #tpu.memory_space<vmem>>)
        %add3A_140 = arith.constant 1 : i32
        %add3A_141 = arith.addi %add3A_116, %add3A_140 : i32
        %dma_start3A_142 = arith.constant 0 : i32
        %dma_start3A_143 = tpu.memref_slice %arg8[%add3A_141, %dma_start3A_142] : memref<32x128xi32, #tpu.memory_space<vmem>> -> memref<1x128xi32, #tpu.memory_space<vmem>>
        %dma_start3A_144 = tpu.memref_squeeze %dma_start3A_143 : memref<1x128xi32, #tpu.memory_space<vmem>> -> memref<128xi32, #tpu.memory_space<vmem>>
        %dma_start3A_145 = arith.constant 0 : i32
        %dma_start3A_146 = arith.constant 0 : i32
        %dma_start3A_147 = tpu.memref_slice %arg15[%dma_start3A_145, %dma_start3A_146] : memref<10240x64xf32, #tpu.memory_space<vmem_shared>> -> memref<10240x64xf32, #tpu.memory_space<vmem_shared>>
        tpu.enqueue_indirect_dma source(%arg10 : memref<128x64xf32, #tpu.memory_space<vmem>>) target(%dma_start3A_147 : memref<10240x64xf32, #tpu.memory_space<vmem_shared>>) offsets(%dma_start3A_144 : memref<128xi32, #tpu.memory_space<vmem>>) semaphore(%arg21 : memref<!tpu.dma_semaphore, #tpu.memory_space<semaphore_mem>>) {add = true}
        %add3A_148 = arith.constant 2 : i32
        %add3A_149 = arith.addi %add3A_116, %add3A_148 : i32
        %dma_wait3A_150 = arith.constant 0 : i32
        %dma_wait3A_151 = tpu.memref_slice %arg7[%add3A_149, %dma_wait3A_150] : memref<32x128xi32, #tpu.memory_space<vmem>> -> memref<1x128xi32, #tpu.memory_space<vmem>>
        %dma_wait3A_152 = tpu.memref_squeeze %dma_wait3A_151 : memref<1x128xi32, #tpu.memory_space<vmem>> -> memref<128xi32, #tpu.memory_space<vmem>>
        %dma_wait3A_153 = arith.constant 0 : i32
        %dma_wait3A_154 = arith.constant 0 : i32
        %dma_wait3A_155 = tpu.memref_slice %arg14[%dma_wait3A_153, %dma_wait3A_154] : memref<10240x64xf32, #tpu.memory_space<vmem_shared>> -> memref<10240x64xf32, #tpu.memory_space<vmem_shared>>
        tpu.wait_indirect_dma semaphore(%arg18 : memref<!tpu.dma_semaphore, #tpu.memory_space<semaphore_mem>>) src(%dma_wait3A_155 : memref<10240x64xf32, #tpu.memory_space<vmem_shared>>) dst(%arg11 : memref<128x64xf32, #tpu.memory_space<vmem>>)
        %add3A_156 = arith.constant 2 : i32
        %add3A_157 = arith.addi %add3A_116, %add3A_156 : i32
        %dma_start3A_158 = arith.constant 0 : i32
        %dma_start3A_159 = tpu.memref_slice %arg8[%add3A_157, %dma_start3A_158] : memref<32x128xi32, #tpu.memory_space<vmem>> -> memref<1x128xi32, #tpu.memory_space<vmem>>
        %dma_start3A_160 = tpu.memref_squeeze %dma_start3A_159 : memref<1x128xi32, #tpu.memory_space<vmem>> -> memref<128xi32, #tpu.memory_space<vmem>>
        %dma_start3A_161 = arith.constant 0 : i32
        %dma_start3A_162 = arith.constant 0 : i32
        %dma_start3A_163 = tpu.memref_slice %arg15[%dma_start3A_161, %dma_start3A_162] : memref<10240x64xf32, #tpu.memory_space<vmem_shared>> -> memref<10240x64xf32, #tpu.memory_space<vmem_shared>>
        tpu.enqueue_indirect_dma source(%arg11 : memref<128x64xf32, #tpu.memory_space<vmem>>) target(%dma_start3A_163 : memref<10240x64xf32, #tpu.memory_space<vmem_shared>>) offsets(%dma_start3A_160 : memref<128xi32, #tpu.memory_space<vmem>>) semaphore(%arg22 : memref<!tpu.dma_semaphore, #tpu.memory_space<semaphore_mem>>) {add = true}
        %add3A_164 = arith.constant 3 : i32
        %add3A_165 = arith.addi %add3A_116, %add3A_164 : i32
        %dma_wait3A_166 = arith.constant 0 : i32
        %dma_wait3A_167 = tpu.memref_slice %arg7[%add3A_165, %dma_wait3A_166] : memref<32x128xi32, #tpu.memory_space<vmem>> -> memref<1x128xi32, #tpu.memory_space<vmem>>
        %dma_wait3A_168 = tpu.memref_squeeze %dma_wait3A_167 : memref<1x128xi32, #tpu.memory_space<vmem>> -> memref<128xi32, #tpu.memory_space<vmem>>
        %dma_wait3A_169 = arith.constant 0 : i32
        %dma_wait3A_170 = arith.constant 0 : i32
        %dma_wait3A_171 = tpu.memref_slice %arg14[%dma_wait3A_169, %dma_wait3A_170] : memref<10240x64xf32, #tpu.memory_space<vmem_shared>> -> memref<10240x64xf32, #tpu.memory_space<vmem_shared>>
        tpu.wait_indirect_dma semaphore(%arg19 : memref<!tpu.dma_semaphore, #tpu.memory_space<semaphore_mem>>) src(%dma_wait3A_171 : memref<10240x64xf32, #tpu.memory_space<vmem_shared>>) dst(%arg12 : memref<128x64xf32, #tpu.memory_space<vmem>>)
        %add3A_172 = arith.constant 3 : i32
        %add3A_173 = arith.addi %add3A_116, %add3A_172 : i32
        %dma_start3A_174 = arith.constant 0 : i32
        %dma_start3A_175 = tpu.memref_slice %arg8[%add3A_173, %dma_start3A_174] : memref<32x128xi32, #tpu.memory_space<vmem>> -> memref<1x128xi32, #tpu.memory_space<vmem>>
        %dma_start3A_176 = tpu.memref_squeeze %dma_start3A_175 : memref<1x128xi32, #tpu.memory_space<vmem>> -> memref<128xi32, #tpu.memory_space<vmem>>
        %dma_start3A_177 = arith.constant 0 : i32
        %dma_start3A_178 = arith.constant 0 : i32
        %dma_start3A_179 = tpu.memref_slice %arg15[%dma_start3A_177, %dma_start3A_178] : memref<10240x64xf32, #tpu.memory_space<vmem_shared>> -> memref<10240x64xf32, #tpu.memory_space<vmem_shared>>
        tpu.enqueue_indirect_dma source(%arg12 : memref<128x64xf32, #tpu.memory_space<vmem>>) target(%dma_start3A_179 : memref<10240x64xf32, #tpu.memory_space<vmem_shared>>) offsets(%dma_start3A_176 : memref<128xi32, #tpu.memory_space<vmem>>) semaphore(%arg23 : memref<!tpu.dma_semaphore, #tpu.memory_space<semaphore_mem>>) {add = true}
        %add3A_180 = arith.constant 0 : i32
        %add3A_181 = arith.addi %add3A_116, %add3A_180 : i32
        %dma_wait3A_182 = arith.constant 0 : i32
        %dma_wait3A_183 = tpu.memref_slice %arg8[%add3A_181, %dma_wait3A_182] : memref<32x128xi32, #tpu.memory_space<vmem>> -> memref<1x128xi32, #tpu.memory_space<vmem>>
        %dma_wait3A_184 = tpu.memref_squeeze %dma_wait3A_183 : memref<1x128xi32, #tpu.memory_space<vmem>> -> memref<128xi32, #tpu.memory_space<vmem>>
        %dma_wait3A_185 = arith.constant 0 : i32
        %dma_wait3A_186 = arith.constant 0 : i32
        %dma_wait3A_187 = tpu.memref_slice %arg15[%dma_wait3A_185, %dma_wait3A_186] : memref<10240x64xf32, #tpu.memory_space<vmem_shared>> -> memref<10240x64xf32, #tpu.memory_space<vmem_shared>>
        tpu.wait_indirect_dma semaphore(%arg20 : memref<!tpu.dma_semaphore, #tpu.memory_space<semaphore_mem>>) src(%arg9 : memref<128x64xf32, #tpu.memory_space<vmem>>) dst(%dma_wait3A_187 : memref<10240x64xf32, #tpu.memory_space<vmem_shared>>)
        %add3A_188 = arith.constant 4 : i32
        %add3A_189 = arith.addi %add3A_116, %add3A_188 : i32
        %add3A_190 = arith.constant 0 : i32
        %add3A_191 = arith.addi %add3A_189, %add3A_190 : i32
        %lt3A_192 = arith.constant 32 : i32
        %lt3A_193 = arith.cmpi slt, %add3A_191, %lt3A_192 : i32
        %convert_element_type3A_194 = arith.extui %lt3A_193 : i1 to i32
        %cond3A_195 = arith.constant 0 : i32
        %cond3A_196 = arith.cmpi ne, %convert_element_type3A_194, %cond3A_195 : i32
        scf.if %cond3A_196 {
          %add3A_248 = arith.constant 4 : i32
          %add3A_249 = arith.addi %add3A_116, %add3A_248 : i32
          %add3A_250 = arith.constant 0 : i32
          %add3A_251 = arith.addi %add3A_249, %add3A_250 : i32
          %dma_start3A_252 = arith.constant 0 : i32
          %dma_start3A_253 = tpu.memref_slice %arg7[%add3A_251, %dma_start3A_252] : memref<32x128xi32, #tpu.memory_space<vmem>> -> memref<1x128xi32, #tpu.memory_space<vmem>>
          %dma_start3A_254 = tpu.memref_squeeze %dma_start3A_253 : memref<1x128xi32, #tpu.memory_space<vmem>> -> memref<128xi32, #tpu.memory_space<vmem>>
          %dma_start3A_255 = arith.constant 0 : i32
          %dma_start3A_256 = arith.constant 0 : i32
          %dma_start3A_257 = tpu.memref_slice %arg14[%dma_start3A_255, %dma_start3A_256] : memref<10240x64xf32, #tpu.memory_space<vmem_shared>> -> memref<10240x64xf32, #tpu.memory_space<vmem_shared>>
          tpu.enqueue_indirect_dma source(%dma_start3A_257 : memref<10240x64xf32, #tpu.memory_space<vmem_shared>>) target(%arg9 : memref<128x64xf32, #tpu.memory_space<vmem>>) offsets(%dma_start3A_254 : memref<128xi32, #tpu.memory_space<vmem>>) semaphore(%arg16 : memref<!tpu.dma_semaphore, #tpu.memory_space<semaphore_mem>>)
        } else {
        }
        %add3A_197 = arith.constant 1 : i32
        %add3A_198 = arith.addi %add3A_116, %add3A_197 : i32
        %dma_wait3A_199 = arith.constant 0 : i32
        %dma_wait3A_200 = tpu.memref_slice %arg8[%add3A_198, %dma_wait3A_199] : memref<32x128xi32, #tpu.memory_space<vmem>> -> memref<1x128xi32, #tpu.memory_space<vmem>>
        %dma_wait3A_201 = tpu.memref_squeeze %dma_wait3A_200 : memref<1x128xi32, #tpu.memory_space<vmem>> -> memref<128xi32, #tpu.memory_space<vmem>>
        %dma_wait3A_202 = arith.constant 0 : i32
        %dma_wait3A_203 = arith.constant 0 : i32
        %dma_wait3A_204 = tpu.memref_slice %arg15[%dma_wait3A_202, %dma_wait3A_203] : memref<10240x64xf32, #tpu.memory_space<vmem_shared>> -> memref<10240x64xf32, #tpu.memory_space<vmem_shared>>
        tpu.wait_indirect_dma semaphore(%arg21 : memref<!tpu.dma_semaphore, #tpu.memory_space<semaphore_mem>>) src(%arg10 : memref<128x64xf32, #tpu.memory_space<vmem>>) dst(%dma_wait3A_204 : memref<10240x64xf32, #tpu.memory_space<vmem_shared>>)
        %add3A_205 = arith.constant 4 : i32
        %add3A_206 = arith.addi %add3A_116, %add3A_205 : i32
        %add3A_207 = arith.constant 1 : i32
        %add3A_208 = arith.addi %add3A_206, %add3A_207 : i32
        %lt3A_209 = arith.constant 32 : i32
        %lt3A_210 = arith.cmpi slt, %add3A_208, %lt3A_209 : i32
        %convert_element_type3A_211 = arith.extui %lt3A_210 : i1 to i32
        %cond3A_212 = arith.constant 0 : i32
        %cond3A_213 = arith.cmpi ne, %convert_element_type3A_211, %cond3A_212 : i32
        scf.if %cond3A_213 {
          %add3A_248 = arith.constant 4 : i32
          %add3A_249 = arith.addi %add3A_116, %add3A_248 : i32
          %add3A_250 = arith.constant 1 : i32
          %add3A_251 = arith.addi %add3A_249, %add3A_250 : i32
          %dma_start3A_252 = arith.constant 0 : i32
          %dma_start3A_253 = tpu.memref_slice %arg7[%add3A_251, %dma_start3A_252] : memref<32x128xi32, #tpu.memory_space<vmem>> -> memref<1x128xi32, #tpu.memory_space<vmem>>
          %dma_start3A_254 = tpu.memref_squeeze %dma_start3A_253 : memref<1x128xi32, #tpu.memory_space<vmem>> -> memref<128xi32, #tpu.memory_space<vmem>>
          %dma_start3A_255 = arith.constant 0 : i32
          %dma_start3A_256 = arith.constant 0 : i32
          %dma_start3A_257 = tpu.memref_slice %arg14[%dma_start3A_255, %dma_start3A_256] : memref<10240x64xf32, #tpu.memory_space<vmem_shared>> -> memref<10240x64xf32, #tpu.memory_space<vmem_shared>>
          tpu.enqueue_indirect_dma source(%dma_start3A_257 : memref<10240x64xf32, #tpu.memory_space<vmem_shared>>) target(%arg10 : memref<128x64xf32, #tpu.memory_space<vmem>>) offsets(%dma_start3A_254 : memref<128xi32, #tpu.memory_space<vmem>>) semaphore(%arg17 : memref<!tpu.dma_semaphore, #tpu.memory_space<semaphore_mem>>)
        } else {
        }
        %add3A_214 = arith.constant 2 : i32
        %add3A_215 = arith.addi %add3A_116, %add3A_214 : i32
        %dma_wait3A_216 = arith.constant 0 : i32
        %dma_wait3A_217 = tpu.memref_slice %arg8[%add3A_215, %dma_wait3A_216] : memref<32x128xi32, #tpu.memory_space<vmem>> -> memref<1x128xi32, #tpu.memory_space<vmem>>
        %dma_wait3A_218 = tpu.memref_squeeze %dma_wait3A_217 : memref<1x128xi32, #tpu.memory_space<vmem>> -> memref<128xi32, #tpu.memory_space<vmem>>
        %dma_wait3A_219 = arith.constant 0 : i32
        %dma_wait3A_220 = arith.constant 0 : i32
        %dma_wait3A_221 = tpu.memref_slice %arg15[%dma_wait3A_219, %dma_wait3A_220] : memref<10240x64xf32, #tpu.memory_space<vmem_shared>> -> memref<10240x64xf32, #tpu.memory_space<vmem_shared>>
        tpu.wait_indirect_dma semaphore(%arg22 : memref<!tpu.dma_semaphore, #tpu.memory_space<semaphore_mem>>) src(%arg11 : memref<128x64xf32, #tpu.memory_space<vmem>>) dst(%dma_wait3A_221 : memref<10240x64xf32, #tpu.memory_space<vmem_shared>>)
        %add3A_222 = arith.constant 4 : i32
        %add3A_223 = arith.addi %add3A_116, %add3A_222 : i32
        %add3A_224 = arith.constant 2 : i32
        %add3A_225 = arith.addi %add3A_223, %add3A_224 : i32
        %lt3A_226 = arith.constant 32 : i32
        %lt3A_227 = arith.cmpi slt, %add3A_225, %lt3A_226 : i32
        %convert_element_type3A_228 = arith.extui %lt3A_227 : i1 to i32
        %cond3A_229 = arith.constant 0 : i32
        %cond3A_230 = arith.cmpi ne, %convert_element_type3A_228, %cond3A_229 : i32
        scf.if %cond3A_230 {
          %add3A_248 = arith.constant 4 : i32
          %add3A_249 = arith.addi %add3A_116, %add3A_248 : i32
          %add3A_250 = arith.constant 2 : i32
          %add3A_251 = arith.addi %add3A_249, %add3A_250 : i32
          %dma_start3A_252 = arith.constant 0 : i32
          %dma_start3A_253 = tpu.memref_slice %arg7[%add3A_251, %dma_start3A_252] : memref<32x128xi32, #tpu.memory_space<vmem>> -> memref<1x128xi32, #tpu.memory_space<vmem>>
          %dma_start3A_254 = tpu.memref_squeeze %dma_start3A_253 : memref<1x128xi32, #tpu.memory_space<vmem>> -> memref<128xi32, #tpu.memory_space<vmem>>
          %dma_start3A_255 = arith.constant 0 : i32
          %dma_start3A_256 = arith.constant 0 : i32
          %dma_start3A_257 = tpu.memref_slice %arg14[%dma_start3A_255, %dma_start3A_256] : memref<10240x64xf32, #tpu.memory_space<vmem_shared>> -> memref<10240x64xf32, #tpu.memory_space<vmem_shared>>
          tpu.enqueue_indirect_dma source(%dma_start3A_257 : memref<10240x64xf32, #tpu.memory_space<vmem_shared>>) target(%arg11 : memref<128x64xf32, #tpu.memory_space<vmem>>) offsets(%dma_start3A_254 : memref<128xi32, #tpu.memory_space<vmem>>) semaphore(%arg18 : memref<!tpu.dma_semaphore, #tpu.memory_space<semaphore_mem>>)
        } else {
        }
        %add3A_231 = arith.constant 3 : i32
        %add3A_232 = arith.addi %add3A_116, %add3A_231 : i32
        %dma_wait3A_233 = arith.constant 0 : i32
        %dma_wait3A_234 = tpu.memref_slice %arg8[%add3A_232, %dma_wait3A_233] : memref<32x128xi32, #tpu.memory_space<vmem>> -> memref<1x128xi32, #tpu.memory_space<vmem>>
        %dma_wait3A_235 = tpu.memref_squeeze %dma_wait3A_234 : memref<1x128xi32, #tpu.memory_space<vmem>> -> memref<128xi32, #tpu.memory_space<vmem>>
        %dma_wait3A_236 = arith.constant 0 : i32
        %dma_wait3A_237 = arith.constant 0 : i32
        %dma_wait3A_238 = tpu.memref_slice %arg15[%dma_wait3A_236, %dma_wait3A_237] : memref<10240x64xf32, #tpu.memory_space<vmem_shared>> -> memref<10240x64xf32, #tpu.memory_space<vmem_shared>>
        tpu.wait_indirect_dma semaphore(%arg23 : memref<!tpu.dma_semaphore, #tpu.memory_space<semaphore_mem>>) src(%arg12 : memref<128x64xf32, #tpu.memory_space<vmem>>) dst(%dma_wait3A_238 : memref<10240x64xf32, #tpu.memory_space<vmem_shared>>)
        %add3A_239 = arith.constant 4 : i32
        %add3A_240 = arith.addi %add3A_116, %add3A_239 : i32
        %add3A_241 = arith.constant 3 : i32
        %add3A_242 = arith.addi %add3A_240, %add3A_241 : i32
        %lt3A_243 = arith.constant 32 : i32
        %lt3A_244 = arith.cmpi slt, %add3A_242, %lt3A_243 : i32
        %convert_element_type3A_245 = arith.extui %lt3A_244 : i1 to i32
        %cond3A_246 = arith.constant 0 : i32
        %cond3A_247 = arith.cmpi ne, %convert_element_type3A_245, %cond3A_246 : i32
        scf.if %cond3A_247 {
          %add3A_248 = arith.constant 4 : i32
          %add3A_249 = arith.addi %add3A_116, %add3A_248 : i32
          %add3A_250 = arith.constant 3 : i32
          %add3A_251 = arith.addi %add3A_249, %add3A_250 : i32
          %dma_start3A_252 = arith.constant 0 : i32
          %dma_start3A_253 = tpu.memref_slice %arg7[%add3A_251, %dma_start3A_252] : memref<32x128xi32, #tpu.memory_space<vmem>> -> memref<1x128xi32, #tpu.memory_space<vmem>>
          %dma_start3A_254 = tpu.memref_squeeze %dma_start3A_253 : memref<1x128xi32, #tpu.memory_space<vmem>> -> memref<128xi32, #tpu.memory_space<vmem>>
          %dma_start3A_255 = arith.constant 0 : i32
          %dma_start3A_256 = arith.constant 0 : i32
          %dma_start3A_257 = tpu.memref_slice %arg14[%dma_start3A_255, %dma_start3A_256] : memref<10240x64xf32, #tpu.memory_space<vmem_shared>> -> memref<10240x64xf32, #tpu.memory_space<vmem_shared>>
          tpu.enqueue_indirect_dma source(%dma_start3A_257 : memref<10240x64xf32, #tpu.memory_space<vmem_shared>>) target(%arg12 : memref<128x64xf32, #tpu.memory_space<vmem>>) offsets(%dma_start3A_254 : memref<128xi32, #tpu.memory_space<vmem>>) semaphore(%arg19 : memref<!tpu.dma_semaphore, #tpu.memory_space<semaphore_mem>>)
        } else {
        }
      }
      %scan3A_111 = arith.constant 8 : i32
    }
    %scan3A_53 = arith.constant 5 : i32
    %barrier3A_54 = arith.constant 0 : index
    tpu.barrier barrier_id(%barrier3A_54)
    %lt3A_55 = arith.constant 15 : i32
    %lt3A_56 = arith.cmpi slt, %arg1, %lt3A_55 : i32
    %convert_element_type3A_57 = arith.extui %lt3A_56 : i1 to i32
    %cond3A_58 = arith.constant 0 : i32
    %cond3A_59 = arith.cmpi ne, %convert_element_type3A_57, %cond3A_58 : i32
    scf.if %cond3A_59 {
      %mul3A_65 = arith.constant 640 : i32
      %mul3A_66 = arith.muli %arg1, %mul3A_65 : i32
      %mul3A_67 = arith.constant 640 : i32
      %mul3A_68 = arith.muli %arg1, %mul3A_67 : i32
      %mul3A_69 = arith.constant 64 : i32
      %mul3A_70 = arith.muli %arg0, %mul3A_69 : i32
      "tpu.region"() ({
        %run_scoped3A = tpu.sem_alloc : memref<!tpu.dma_semaphore, #tpu.memory_space<semaphore_mem>>
        %dma_start3A = tpu.memref_slice %arg6[%mul3A_68, %mul3A_70] : memref<10000x128xf32, #tpu.memory_space<hbm>> -> memref<640x64xf32, #tpu.memory_space<hbm>>
        %dma_start3A_71 = arith.constant 0 : i32
        %dma_start3A_72 = tpu.memref_slice %arg15[%mul3A_66, %dma_start3A_71] : memref<10240x64xf32, #tpu.memory_space<vmem_shared>> -> memref<640x64xf32, #tpu.memory_space<vmem_shared>>
        tpu.enqueue_dma source(%dma_start3A_72 : memref<640x64xf32, #tpu.memory_space<vmem_shared>>) target(%dma_start3A : memref<640x64xf32, #tpu.memory_space<hbm>>) target_semaphore(%run_scoped3A : memref<!tpu.dma_semaphore, #tpu.memory_space<semaphore_mem>>)
        %dma_wait3A = tpu.memref_slice %arg6[%mul3A_68, %mul3A_70] : memref<10000x128xf32, #tpu.memory_space<hbm>> -> memref<640x64xf32, #tpu.memory_space<hbm>>
        %dma_wait3A_73 = arith.constant 0 : i32
        %dma_wait3A_74 = tpu.memref_slice %arg15[%mul3A_66, %dma_wait3A_73] : memref<10240x64xf32, #tpu.memory_space<vmem_shared>> -> memref<640x64xf32, #tpu.memory_space<vmem_shared>>
        tpu.wait_dma2 semaphore(%run_scoped3A : memref<!tpu.dma_semaphore, #tpu.memory_space<semaphore_mem>>) src(%dma_wait3A_74 : memref<640x64xf32, #tpu.memory_space<vmem_shared>>) dst(%dma_wait3A : memref<640x64xf32, #tpu.memory_space<hbm>>)
        tpu.yield
      }) : () -> ()
    } else {
    }
    %eq3A_60 = arith.constant 15 : i32
    %eq3A_61 = arith.cmpi eq, %arg1, %eq3A_60 : i32
    %convert_element_type3A_62 = arith.extui %eq3A_61 : i1 to i32
    %cond3A_63 = arith.constant 0 : i32
    %cond3A_64 = arith.cmpi ne, %convert_element_type3A_62, %cond3A_63 : i32
    scf.if %cond3A_64 {
      %mul3A_65 = arith.constant 64 : i32
      %mul3A_66 = arith.muli %arg0, %mul3A_65 : i32
      "tpu.region"() ({
        %run_scoped3A = tpu.sem_alloc : memref<!tpu.dma_semaphore, #tpu.memory_space<semaphore_mem>>
        %dma_start3A = arith.constant 9600 : i32
        %dma_start3A_67 = tpu.memref_slice %arg6[%dma_start3A, %mul3A_66] : memref<10000x128xf32, #tpu.memory_space<hbm>> -> memref<400x64xf32, #tpu.memory_space<hbm>>
        %dma_start3A_68 = arith.constant 9600 : i32
        %dma_start3A_69 = arith.constant 0 : i32
        %dma_start3A_70 = tpu.memref_slice %arg15[%dma_start3A_68, %dma_start3A_69] : memref<10240x64xf32, #tpu.memory_space<vmem_shared>> -> memref<400x64xf32, #tpu.memory_space<vmem_shared>>
        tpu.enqueue_dma source(%dma_start3A_70 : memref<400x64xf32, #tpu.memory_space<vmem_shared>>) target(%dma_start3A_67 : memref<400x64xf32, #tpu.memory_space<hbm>>) target_semaphore(%run_scoped3A : memref<!tpu.dma_semaphore, #tpu.memory_space<semaphore_mem>>)
        %dma_wait3A = arith.constant 9600 : i32
        %dma_wait3A_71 = tpu.memref_slice %arg6[%dma_wait3A, %mul3A_66] : memref<10000x128xf32, #tpu.memory_space<hbm>> -> memref<400x64xf32, #tpu.memory_space<hbm>>
        %dma_wait3A_72 = arith.constant 9600 : i32
        %dma_wait3A_73 = arith.constant 0 : i32
        %dma_wait3A_74 = tpu.memref_slice %arg15[%dma_wait3A_72, %dma_wait3A_73] : memref<10240x64xf32, #tpu.memory_space<vmem_shared>> -> memref<400x64xf32, #tpu.memory_space<vmem_shared>>
        tpu.wait_dma2 semaphore(%run_scoped3A : memref<!tpu.dma_semaphore, #tpu.memory_space<semaphore_mem>>) src(%dma_wait3A_74 : memref<400x64xf32, #tpu.memory_space<vmem_shared>>) dst(%dma_wait3A_71 : memref<400x64xf32, #tpu.memory_space<hbm>>)
        tpu.yield
      }) : () -> ()
    } else {
    }
    return
  }
}

module attributes {stable_mosaic.version = 14 : i64} {
  func.func @_dense_body(%arg0: i32, %arg1: memref<1000x128xf32, #tpu.memory_space<vmem>>, %arg2: memref<128x128xf32, #tpu.memory_space<vmem>>, %arg3: memref<1x128xf32, #tpu.memory_space<vmem>>, %arg4: memref<128x128xf32, #tpu.memory_space<vmem>>, %arg5: memref<1000x128xf32, #tpu.memory_space<vmem>>) attributes {dimension_semantics = [#tpu.dimension_semantics<arbitrary>], iteration_bounds = array<i64: 10>, scalar_prefetch = 0 : i64, scratch_operands = 0 : i64, tpu.core_type = #tpu.core_type<tc>, window_params = [{transform_indices = @transform_0, window_bounds = array<i64: 1000, 128>}, {pipeline_mode = #tpu.pipeline_mode<synchronous>, transform_indices = @transform_1, window_bounds = array<i64: 128, 128>}, {pipeline_mode = #tpu.pipeline_mode<synchronous>, transform_indices = @transform_2, window_bounds = array<i64: 1, 128>}, {pipeline_mode = #tpu.pipeline_mode<synchronous>, transform_indices = @transform_3, window_bounds = array<i64: 128, 128>}, {transform_indices = @transform_4, window_bounds = array<i64: 1000, 128>}]} {
    %get3A = arith.constant 0 : index
    %get3A_0 = arith.constant 0 : index
    %get3A_1 = vector.load %arg1[%get3A, %get3A_0] : memref<1000x128xf32, #tpu.memory_space<vmem>>, vector<1000x128xf32>
    %get3A_2 = arith.constant 0 : index
    %get3A_3 = arith.constant 0 : index
    %get3A_4 = vector.load %arg2[%get3A_2, %get3A_3] : memref<128x128xf32, #tpu.memory_space<vmem>>, vector<128x128xf32>
    %dot_general3A = arith.constant dense<0.000000e+00> : vector<1000x128xf32>
    %dot_general3A_5 = tpu.matmul %get3A_1, %get3A_4, %dot_general3A {dimension_numbers = #tpu.dot_dimension_numbers<[1], [0], [0], [1], [0, 0, 1, 1], [], []>, transpose_lhs_hint = false} : vector<1000x128xf32>, vector<128x128xf32>, vector<1000x128xf32> -> vector<1000x128xf32>
    %get3A_6 = arith.constant 0 : index
    %get3A_7 = arith.constant 0 : index
    %get3A_8 = vector.load %arg3[%get3A_6, %get3A_7] : memref<1x128xf32, #tpu.memory_space<vmem>>, vector<1x128xf32>
    %add3A = vector.broadcast %get3A_8 : vector<1x128xf32> to vector<1000x128xf32>
    %add3A_9 = arith.addf %dot_general3A_5, %add3A : vector<1000x128xf32>
    %max3A = arith.constant 0.000000e+00 : f32
    %max3A_10 = vector.broadcast %max3A : f32 to vector<1000x128xf32>
    %max3A_11 = arith.maximumf %add3A_9, %max3A_10 : vector<1000x128xf32>
    %get3A_12 = arith.constant 0 : index
    %get3A_13 = arith.constant 0 : index
    %get3A_14 = vector.load %arg4[%get3A_12, %get3A_13] : memref<128x128xf32, #tpu.memory_space<vmem>>, vector<128x128xf32>
    %dot_general3A_15 = arith.constant dense<0.000000e+00> : vector<1000x128xf32>
    %dot_general3A_16 = tpu.matmul %max3A_11, %get3A_14, %dot_general3A_15 {dimension_numbers = #tpu.dot_dimension_numbers<[1], [0], [0], [1], [0, 0, 1, 1], [], []>, transpose_lhs_hint = false} : vector<1000x128xf32>, vector<128x128xf32>, vector<1000x128xf32> -> vector<1000x128xf32>
    %swap3A = arith.constant 0 : index
    %swap3A_17 = arith.constant 0 : index
    %swap3A_18 = vector.load %arg5[%swap3A, %swap3A_17] : memref<1000x128xf32, #tpu.memory_space<vmem>>, vector<1000x128xf32>
    tpu.vector_store %arg5[%swap3A, %swap3A_17], %dot_general3A_16 {strides = array<i32>} : memref<1000x128xf32, #tpu.memory_space<vmem>>, vector<1000x128xf32>,
    return
  }
  func.func @transform_0(%arg0: i32) -> (i32, i32) {
    %c0_i32 = arith.constant 0 : i32
    %c0_i32_0 = arith.constant 0 : i32
    return %arg0, %c0_i32 : i32, i32
  }
  func.func @transform_1(%arg0: i32) -> (i32, i32) {
    %c0_i32 = arith.constant 0 : i32
    %c0_i32_0 = arith.constant 0 : i32
    %c0_i32_1 = arith.constant 0 : i32
    return %c0_i32, %c0_i32_0 : i32, i32
  }
  func.func @transform_2(%arg0: i32) -> (i32, i32) {
    %c0_i32 = arith.constant 0 : i32
    %c0_i32_0 = arith.constant 0 : i32
    %c0_i32_1 = arith.constant 0 : i32
    return %c0_i32, %c0_i32_0 : i32, i32
  }
  func.func @transform_3(%arg0: i32) -> (i32, i32) {
    %c0_i32 = arith.constant 0 : i32
    %c0_i32_0 = arith.constant 0 : i32
    %c0_i32_1 = arith.constant 0 : i32
    return %c0_i32, %c0_i32_0 : i32, i32
  }
  func.func @transform_4(%arg0: i32) -> (i32, i32) {
    %c0_i32 = arith.constant 0 : i32
    %c0_i32_0 = arith.constant 0 : i32
    return %arg0, %c0_i32 : i32, i32
  }
}

</mosaic_0001>

<sc_bundles>
// kernel: kernel.5.cloned.1.call-start
scs
__scs_entry_jumppad:
0x0: {  	(pc) =	sbr.rel $0x88, $3  }
0x1: {  	(tag) =	ssettag $0x0;
	lr =	simm.s32 $0x1  }
0x2: {  	[smem:$0x3F9B] =	sst lr;
	_ =	strace $0xD0000000  }
0x3: {  	_ = 	snop  }
0x4: {  	_ = 	snop  }
0x5: {  	_ = 	snop  }
0x6: {  	_ = 	snop  }
0x7: {  	_ = 	snop  }
__scs_overlays_trampoline_lowered:
0x8: {  	[smem:$0x3FAA] =	sst s0  }
0x9: {  	[smem:$0x3FAB] =	sst s1  }
0xa: {  	[smem:$0x3FAC] =	sst s2  }
0xb: {  	[smem:$0x3FAD] =	sst s3  }
0xc: {  	[smem:$0x3FAE] =	sst s4  }
0xd: {  	[smem:$0x3FAF] =	sst s5  }
0xe: {  	[smem:$0x3FB0] =	sst s6  }
0xf: {  	[smem:$0x3FB1] =	sst s7  }
0x10: {  	[smem:$0x3FB2] =	sst s8  }
0x11: {  	[smem:$0x3FB3] =	sst s9;
	s0 =	simm.s32 @!p0 $0x0  }
0x12: {  	s1 =	sld [smem:$0x3F99];
	s0 =	simm.s32 @p0 $0x1  }
0x13: {  	[smem:$0x3FB4] =	sst s0;
	s0 =	simm.s32 @!p1 $0x0  }
0x14: {  	s2 =	sld [smem:$0x3F98];
	s0 =	simm.s32 @p1 $0x1  }
0x15: {  	[smem:$0x3FB5] =	sst s0;
	s0 =	simm.s32 @!p2 $0x0  }
0x16: {  	s3 =	sld [smem:$0x3FDB];
	s0 =	simm.s32 @p2 $0x1  }
0x17: {  	s4 =	simm.s32 $0x1BF5;
	[smem:$0x3FB7] =	sst s0  }
0x18: {  	s0 =	sld [smem:$0x3F9A];
	_ =	swait.ge [sflag:s4], $0x0  }
0x19: {  	s7 =	sld [smem:$0x3F9B]  }
0x1a: {  	s8 =	sadd.s32 $0xFFFFE003, lr  }
0x1b: {  	s9 =	sadd.s32 $0xFFFFFEF7, lr;
	s5 =	simm.s32 $0xFFFFFFFF;
	p2 =	slt.u32 s8, $0xFFFFF086  }
0x1c: {  	p1 =	slt.u32 s9, $0xF7A;
	s5 =	simm.s32 @!p2 $0x0  }
0x1d: {  	s5 =	simm.s32 @p1 $0x1;
	p0 =	seq.s32 s7, s2  }
0x1e: {  	s7 =	smul.u32 @!p0 $0xF7A, s2;
	p2 =	seq.s32 @!p0 s5, $0x0  }
0x1f: {  	s9 =	smul.u32 $0xF7A, s1;
	s8 =	simm.s32 @!p0 $0x1BF5;
	p2 =	por !p2, p0  }
0x20: {  	[sflag:s8] =	ssyncset.s32 @!p0 $0xFFFFF086;
	s6 =	sadd.s32 @!p0 s3, s7;
	s7 =	simm.s32 @!p0 $0x108  }
0x21: {  	s3 =	sadd.s32 s3, s9;
	s6 =	sadd.s32 @!p0 $0x88, s6;
	s7 =	simm.s32 @p2 $0x1082  }
0x22: {  	[simem:s7], [sflag:s8] =	dma.local @!p0 [hbm:s6], $0xF7A  }
0x23: {  	s9 =	sor.u32 $0xD0000000, s2;
	s6 =	simm.s32 $0x108;
	_ =	swait.ge @!p0 [sflag:s8], $0x0  }
0x24: {  	s3 =	sadd.s32 $0x88, s3;
	s6 =	simm.s32 @!p1 $0x1082;
	[sflag:s4] =	ssyncset.s32 $0xFFFFF086  }
0x25: {  	[simem:s6], [sflag:s4] =	dma.local [hbm:s3], $0xF7A  }
0x26: {  	[smem:$0x3F9B] =	sst s1;
	(tag) =	ssettag s2;
	_ =	strace s9  }
0x27: {  	s1 =	sld [smem:$0x3FAB]  }
0x28: {  	s2 =	sld [smem:$0x3FAC]  }
0x29: {  	s4 =	sld [smem:$0x3FAE]  }
0x2a: {  	p0 =	seq.s32 s5, $0x0;
	s5 =	sld [smem:$0x3FAF]  }
0x2b: {  	s6 =	sld [smem:$0x3FB0]  }
0x2c: {  	s7 =	sld [smem:$0x3FB1]  }
0x2d: {  	s3 =	simm.s32 $0x108;
	s8 =	sld [smem:$0x3FB2]  }
0x2e: {  	s3 =	simm.s32 @!p0 $0x1082;
	s9 =	sld [smem:$0x3FB3]  }
0x2f: {  	lr =	sadd.s32 s0, s3;
	s0 =	sld [smem:$0x3FAA]  }
0x30: {  	s3 =	sld [smem:$0x3FAD]  }
0x31: {  	[smem:$0x3FB6] =	sst s10  }
0x32: {  	s10 =	sld [smem:$0x3FB4];
	_ =	sdelay $0x3  }
0x33: {  	p0 =	seq.s32 s10, $0x1;
	s10 =	sld [smem:$0x3FB6];
	_ =	sdelay $0x3  }
0x34: {  	[smem:$0x3FB6] =	sst s10  }
0x35: {  	s10 =	sld [smem:$0x3FB5];
	_ =	sdelay $0x3  }
0x36: {  	p1 =	seq.s32 s10, $0x1;
	s10 =	sld [smem:$0x3FB6];
	_ =	sdelay $0x3  }
0x37: {  	[smem:$0x3FB6] =	sst s10  }
0x38: {  	s10 =	sld [smem:$0x3FB7]  }
0x39: {  	_ = 	snop;
	(pc) =	sbr.ind lr, $3  }
0x3a: {  	_ = 	snop  }
0x3b: {  	_ = 	snop  }
0x3c: {  	p2 =	seq.s32 s10, $0x1;
	s10 =	sld [smem:$0x3FB6]  }
0x3d: {  	_ =	shalt  }
0x3e: {  	_ =	shalt  }
0x3f: {  	_ =	shalt  }
0x40: {  	_ =	shalt  }
0x41: {  	_ =	shalt  }
0x42: {  	_ =	shalt  }
0x43: {  	_ =	shalt  }
0x44: {  	_ =	shalt  }
0x45: {  	_ =	shalt  }
0x46: {  	_ =	shalt  }
0x47: {  	_ =	shalt  }
0x48: {  	_ =	shalt  }
0x49: {  	_ =	shalt  }
0x4a: {  	_ =	shalt  }
0x4b: {  	_ =	shalt  }
0x4c: {  	_ =	shalt  }
0x4d: {  	_ =	shalt  }
0x4e: {  	_ =	shalt  }
0x4f: {  	_ =	shalt  }
0x50: {  	_ =	shalt  }
0x51: {  	_ =	shalt  }
0x52: {  	_ =	shalt  }
0x53: {  	_ =	shalt  }
0x54: {  	_ =	shalt  }
0x55: {  	_ =	shalt  }
0x56: {  	_ =	shalt  }
0x57: {  	_ =	shalt  }
0x58: {  	_ =	shalt  }
0x59: {  	_ =	shalt  }
0x5a: {  	_ =	shalt  }
0x5b: {  	_ =	shalt  }
0x5c: {  	_ =	shalt  }
0x5d: {  	_ =	shalt  }
0x5e: {  	_ =	shalt  }
0x5f: {  	_ =	shalt  }
0x60: {  	_ =	shalt  }
0x61: {  	_ =	shalt  }
0x62: {  	_ =	shalt  }
0x63: {  	_ =	shalt  }
0x64: {  	_ =	shalt  }
0x65: {  	_ =	shalt  }
0x66: {  	_ =	shalt  }
0x67: {  	_ =	shalt  }
0x68: {  	_ =	shalt  }
0x69: {  	_ =	shalt  }
0x6a: {  	_ =	shalt  }
0x6b: {  	_ =	shalt  }
0x6c: {  	_ =	shalt  }
0x6d: {  	_ =	shalt  }
0x6e: {  	_ =	shalt  }
0x6f: {  	_ =	shalt  }
0x70: {  	_ =	shalt  }
0x71: {  	_ =	shalt  }
0x72: {  	_ =	shalt  }
0x73: {  	_ =	shalt  }
0x74: {  	_ =	shalt  }
0x75: {  	_ =	shalt  }
0x76: {  	_ =	shalt  }
0x77: {  	_ =	shalt  }
0x78: {  	_ =	shalt  }
0x79: {  	_ =	shalt  }
0x7a: {  	_ =	shalt  }
0x7b: {  	_ =	shalt  }
0x7c: {  	_ =	shalt  }
0x7d: {  	_ =	shalt  }
0x7e: {  	_ =	shalt  }
0x7f: {  	_ =	shalt  }
0x80: {  	_ =	shalt  }
0x81: {  	_ =	shalt  }
0x82: {  	_ =	shalt  }
0x83: {  	_ =	shalt  }
0x84: {  	_ =	shalt  }
0x85: {  	_ =	shalt  }
0x86: {  	_ =	shalt  }
0x87: {  	_ =	shalt  }
.Lfunc_end0:
.L_simem_size_0:
called_computation_lowered:
.L_overlay_start_0:
0x88: {  	s2 =	sld [smem:$0x3FD9]  }
0x89: {  	s3 =	sld [smem:$0x3FFE];
	_ =	sdelay $0x1  }
0x8a: {  	s1 =	srdreg.scid  }
0x8b: {  	s0 =	sand.u32 $0x1, s1  }
0x8c: {  	s17 =	sshll.u32 s0, $0xA;
	s2 =	sadd.s32 s3, s2  }
0x8d: {  	s2 =	sadd.s32 s2, s17  }
0x8e: {  	[smem:$0x3FC2] =	sst s2  }
0x8f: {  	_ = 	snop  }
0x90: {  	s2 =	sld [smem:$0x3FC9]  }
0x91: {  	s18 =	sld [smem:$0x3FD0];
	(tm) =	ssettm $0x1  }
0x92: {  	s4 =	sld [smem:$0x3FFB];
	_ =	sdelay $0x3  }
0x93: {  	_ =	strace s4  }
0x94: {  	s4 =	sld [smem:$0x3FFC];
	_ =	sdelay $0x3  }
0x95: {  	_ =	strace s4  }
0x96: {  	s4 =	sld [smem:$0x3FFD];
	_ =	sdelay $0x3  }
0x97: {  	_ =	strace s4  }
0x98: {  	_ =	strace $0x8FFFFFFF  }
0x99: {  	s19 =	sld [smem:$0x3FDB];
	_ =	sdelay $0x1  }
0x9a: {  	s5 =	simm.s32 $_scs_section_size  }
0x9b: {  	s6 =	simm.s32 $_size__tile_overlayer_lowered;
	s7 =	simm.s32 $_tile_overlayer_lowered  }
0x9c: {  	s22 =	simm.s32 $0x1BFF;
	s21 =	sshll.u32 s7, $0x1;
	s4 =	sadd.s32 s5, s19  }
0x9d: {  	s8 =	simm.s32 $0x0;
	s20 =	sshll.u32 s6, $0x1;
	s6 =	sadd.s32 s21, s4  }
0x9e: {  	[timem:s8], [sflag:s22] =	dma.local [hbm:s6], s20  }
0x9f: {  	_ =	swait.ge [sflag:s22], s20  }
0xa0: {  	s5 =	ssub.s32 $0x0, s20;
	[sflag:s22] =	ssyncset.done $0x0  }
0xa1: {  	[sflag:s22] =	ssyncadd.s32 s5;
	_ =	sdelay $0x1  }
0xa2: {  	s23 =	simm.s32 $0x1B8B  }
0xa3: {  	_ =	swait.ge [sflag:s23], $0x1  }
0xa4: {  	[sflag:s23] =	ssyncset.done $0x0  }
0xa5: {  	s25 =	simm.s32 $0x1B8E;
	s24 =	sld [smem:$0x3FFE];
	[sflag:s23] =	ssyncadd.s32 $0xFFFFFFFF  }
0xa6: {  	s26 =	simm.s32 $execute0_lowered;
	[smem:$0x3FD2] =	sst s25  }
0xa7: {  	s6 =	sshll.u32 s26, $0x1;
	_ =	strace $0x80000046;
	[dreg:$0x1] =	wrdreg $0xFFFFFFFF  }
0xa8: {  	s28 =	simm.s32 $_size_execute0_lowered;
	s4 =	sadd.s32 s4, s6;
	[dreg:$0x0] =	wrdreg $0x0  }
0xa9: {  	s6 =	sshll.u32 s28, $0x1;
	[dreg:$0x2] =	wrdreg s4  }
0xaa: {  	[dreg:$0x3] =	wrdreg s6  }
0xab: {  	[dreg:$0x4] =	wrdreg $0xC0  }
0xac: {  	_ =	task [dreg:s8], $0x5FFFF  }
0xad: {  	[dreg:$0x1] =	wrdreg $0xFFFFFFFF  }
0xae: {  	[dreg:$0x0] =	wrdreg $0x60  }
0xaf: {  	[dreg:$0x2] =	wrdreg s2  }
0xb0: {  	[dreg:$0x3] =	wrdreg s24  }
0xb1: {  	[dreg:$0x4] =	wrdreg s18  }
0xb2: {  	[dreg:$0x5] =	wrdreg $0xA0400  }
0xb3: {  	[dreg:$0x6] =	wrdreg $0x140400  }
0xb4: {  	[dreg:$0x7] =	wrdreg $0x9  }
0xb5: {  	_ =	task.clear_ibuf [dreg:s8], $0x8FFFF;
	_ =	strace $0x90000046  }
0xb6: {  	s29 =	simm.s32 $0x9;
	_ =	strace $0x80000048  }
0xb7: {  	_ =	swait.ge [sflag:s29], $0x1  }
0xb8: {  	[sflag:s29] =	ssyncadd.s32 $0xFFFFFFFF  }
0xb9: {  	_ =	strace $0x90000048  }
0xba: {  	_ =	sfence  }
0xbb: {  	s30 =	sld [smem:$0x0];
	_ =	sdelay $0x2  }
0xbc: {  	s31 =	sshll.u32 s1, $0xD;
	s1 =	sshrl.u32 s1, $0x2  }
0xbd: {  	s3 =	sand.u32 $0x4000, s31;
	s1 =	sadd.s32 s1, s30  }
0xbe: {  	s0 =	sor.u32 s3, s0;
	s1 =	sshll.u32 s1, $0x11  }
0xbf: {  	s0 =	sor.u32 s1, s0  }
0xc0: {  	s0 =	sadd.s32 $0x8F2B, s0  }
0xc1: {  	[sflag:s0] =	ssyncadd.remote.s32 $0x1  }
0xc2: {  	_ =	sfence.sel $0xFFFF  }
0xc3: {  	[dreg:$0x0] =	wrdreg $0xFFFFFFFF;
	(pc) =	sbr.abs _section_cstart, $3  }
0xc4: {  	[dreg:$0x1] =	wrdreg $0xFFFFFFFF  }
0xc5: {  	_ =	task.clear_ibuf [dreg:s8], $0x2FFFF;
	_ =	strace $0x9FFFFFFF  }
0xc6: {  	(tm) =	ssettm $0x7FFFFFFF  }
0xc7: {  	_ =	shalt  }
tec
execute0_lowered:
.L_overlay_start_1:
0x0: {  	(tag) =	ssettag $0x1  }
0x1: {  	s0 =	rddreg [dreg:$0x0]  }
0x2: {  	s3 =	rddreg [dreg:$0x1]  }
0x3: {  	s4 =	rddreg [dreg:$0x2]  }
0x4: {  	s1 =	rddreg [dreg:$0x3]  }
0x5: {  	s2 =	rddreg [dreg:$0x4];
	s5 =	simm.s32 $0x0  }
0x6: {  	s6 =	srdreg.scid;
	s13 =	stileid.u32;
	s29 =	simm.s32 $0x80  }
0x7: {  	s30 =	simm.s32 $0x4000;
	s31 =	simm.s32 $0x100;
	s14 =	simm.s32 $0x8  }
0x8: {  	s16 =	simm.s32 $0x1E00;
	[smem:$0x7FF] =	sst s5;
	s8 =	smul.u32 $0x14000, s13  }
0x9: {  	s5 =	sadd.s32 $0xAA00, s3;
	s7 =	sand.u32 $0x1, s6;
	s10 =	smul.u32 $0x28000, s13  }
0xa: {  	s6 =	sadd.s32 $0xA00, s3;
	s15 =	smul.u32 $0x5000, s13;
	p0 =	seq.s32 s13, $0xF  }
0xb: {  	_ =	strace $0x80000047;
	s9 =	sshll.u32 s7, $0x3;
	s11 =	ssub.s32 $0x2, s7  }
0xc: {  	s7 =	sshll.u32 s7, $0x6;
	s3 =	sadd.s32 s9, s3;
	s12 =	sshrl.u32 s11, $0x1  }
0xd: {  	s7 =	sor.u32 s7, s8;
	s17 =	sshrl.u32 s10, $0x2;
	s25 =	sadd.s32 s9, s4  }
0xe: {  	s8 =	simm.s32 $0x3;
	s18 =	ssub.s32 s11, s12;
	s20 =	sadd.s32 $0x14A00, s3  }
0xf: {  	s11 =	sadd.s32 s17, s1;
	s21 =	sadd.s32 s17, s2;
	[dreg:$0x8] =	wrdreg s20  }
0x10: {  	s7 =	sshrl.u32 s7, $0x3;
	s3 =	sshll.u32 @!p0 s13, $0x6;
	[dreg:$0x9] =	wrdreg s21  }
0x11: {  	s12 =	sadd.s32 $0x96000, s1;
	s19 =	sadd.s32 s0, s7;
	[dreg:$0x11] =	wrdreg s3  }
0x12: {  	s13 =	simm.s32 $0x7;
	s22 =	sadd.s32 $0x2000, s21;
	[dreg:$0x6] =	wrdreg s19  }
0x13: {  	s17 =	simm.s32 $0x1E80;
	s23 =	sadd.s32 $0x4000, s21;
	[dreg:$0xa] =	wrdreg s22  }
0x14: {  	s0 =	sadd.s32 s9, s0;
	s24 =	sadd.s32 $0x6000, s21;
	[dreg:$0xb] =	wrdreg s23  }
0x15: {  	s26 =	sadd.s32 s4, s7;
	s28 =	smax.u32 s18, $0x1;
	[dreg:$0xc] =	wrdreg s24  }
0x16: {  	s4 =	sshrl.u32 @p0 s12, $0x3;
	s3 =	sor.u32 @!p0 $0x1C01, s3;
	[dreg:$0xe] =	wrdreg s26  }
0x17: {  	s7 =	simm.s32 $0x2;
	s9 =	simm.s32 $0x4;
	[dreg:$0x10] =	wrdreg s28  }
0x18: {  	s12 =	simm.s32 $0x6;
	s18 =	simm.s32 $0x1F00;
	[dreg:$0x12] =	wrdreg s4  }
0x19: {  	s20 =	simm.s32 $0x1F80;
	s0 =	sadd.s32 $0x25800, s0;
	[dreg:$0x13] =	wrdreg s3  }
0x1a: {  	s3 =	sshrl.u32 @!p0 s11, $0x3;
	s24 =	simm.s32 $0x9;
	s26 =	simm.s32 $0x2000  }
0x1b: {  	s4 =	simm.s32 $0x8000;
	[dreg:$0x7] =	wrdreg s0;
	s0 =	sadd.s32 $0x8000, s21  }
0x1c: {  	s23 =	simm.s32 $0x1;
	[dreg:$0xd] =	wrdreg s0;
	s0 =	sadd.s32 $0x25800, s25  }
0x1d: {  	s11 =	simm.s32 $0x5;
	[dreg:$0xf] =	wrdreg s0;
	s0 =	sadd.s32 $0x96000, s2  }
0x1e: {  	[dreg:$0x14] =	wrdreg s3;
	s3 =	simm.s32 $0x180;
	s0 =	sshrl.u32 @p0 s0, $0x3  }
0x1f: {  	s21 =	simm.s32 $0x0;
	[dreg:$0x15] =	wrdreg s0;
	s0 =	simm.s32 $0x6000  }
.LBB2_1:
0x20: {  	[dreg:$0x16] =	wrdreg s21  }
0x21: {  	s28 =	simm.s32 @p0 $0x10;
	s25 =	simm.s32 @p0 $0x1FC1;
	s21 =	rddreg [dreg:$0x7]  }
0x22: {  	s10 =	rddreg [dreg:$0x12];
	s19 =	simm.s32 @p0 $0x1;
	s22 =	simm.s32 @p0 $0x8  }
0x23: {  	[spmem:s10@s22], [sflag:s25] =	dma.strided @p0 [hbm:s21@s28], $0xC80, s19, $0x8   }
0x24: {  	s21 =	rddreg [dreg:$0x6]  }
0x25: {  	s22 =	simm.s32 @!p0 $0x10;
	s25 =	rddreg [dreg:$0x13]  }
0x26: {  	s19 =	simm.s32 @!p0 $0x1;
	s28 =	simm.s32 @!p0 $0x8;
	s10 =	rddreg [dreg:$0x14]  }
0x27: {  	[spmem:s10@s28], [sflag:s25] =	dma.strided @!p0 [hbm:s21@s22], $0x1400, s19, $0x8   }
0x28: {  	s25 =	simm.s32 $0x0;
	s28 =	simm.s32 $0xA000;
	s19 =	rddreg [dreg:$0x8]  }
0x29: {  	[tilespmem:s28], [sflag:$0x9] =	stream.linear.gather [hbm4b:s19+s25], $0x40, $0x38;
	[tilespmem:$0x1E040] =	vst v63  }
0x2a: {  	_ =	swait.ge [sflag:s24], $0x40  }
0x2b: {  	[sflag:s24] =	ssyncset.done $0x0  }
0x2c: {  	[sflag:s24] =	ssyncadd.s32 $0xFFFFFFC0  }
0x2d: {  	v3 =	vld [tilespmem:$0xA030]  }
0x2e: {  	v2 =	vld [tilespmem:$0xA020]  }
0x2f: {  	v0 =	vld [tilespmem:$0xA000]  }
0x30: {  	v1 =	vld [tilespmem:$0xA010]  }
0x31: {  	s10 =	simm.s32 $0x0;
	s19 =	simm.s32 $0x100  }
.LBB2_2:
0x32: {  	p1 =	sne.s32 s19, $0x7F00;
	[tilespmem:s10+$0x2030] =	vst v3;
	s22 =	smov.u32 s19;
	s19 =	sadd.s32 $0x100, s19  }
.Ltmp0:
0x33: {  	[tilespmem:s10+$0x2020] =	vst v2;
	(pc) =	sbr.rel @p1 .LBB2_2-.Ltmp0, $3  }
0x34: {  	[tilespmem:s10+$0x2000] =	vst v0  }
0x35: {  	[tilespmem:s10+$0x2010] =	vst v1;
	_ =	sdelay $0x1  }
0x36: {  	s10 =	sshra.s32 s22, $0x2  }
0x37: {  	[tilespmem:s10+$0x2030] =	vst v3  }
0x38: {  	[tilespmem:s10+$0x2020] =	vst v2  }
0x39: {  	[tilespmem:s10+$0x2000] =	vst v0  }
0x3a: {  	[tilespmem:s10+$0x2010] =	vst v1;
	s25 =	rddreg [dreg:$0x9]  }
0x3b: {  	[spmem:s25] =	stream.linear.scatter [tilespmem:s26], [sflag:$0x9], $0x2000, $0x38;
	[tilespmem:$0x1E040] =	vst v63  }
0x3c: {  	_ =	swait.ge [sflag:s24], $0x2000  }
0x3d: {  	[sflag:s24] =	ssyncset.done $0x0  }
0x3e: {  	s19 =	rddreg [dreg:$0xa];
	[sflag:s24] =	ssyncadd.s32 $0xFFFFE000  }
0x3f: {  	[spmem:s19] =	stream.linear.scatter [tilespmem:s26], [sflag:$0x9], $0x2000, $0x38;
	[tilespmem:$0x1E040] =	vst v63  }
0x40: {  	_ =	swait.ge [sflag:s24], $0x2000  }
0x41: {  	[sflag:s24] =	ssyncset.done $0x0  }
0x42: {  	s21 =	rddreg [dreg:$0xb];
	[sflag:s24] =	ssyncadd.s32 $0xFFFFE000  }
0x43: {  	[spmem:s21] =	stream.linear.scatter [tilespmem:s26], [sflag:$0x9], $0x2000, $0x38;
	[tilespmem:$0x1E040] =	vst v63  }
0x44: {  	_ =	swait.ge [sflag:s24], $0x2000  }
0x45: {  	[sflag:s24] =	ssyncset.done $0x0  }
0x46: {  	s22 =	rddreg [dreg:$0xc];
	[sflag:s24] =	ssyncadd.s32 $0xFFFFE000  }
0x47: {  	[spmem:s22] =	stream.linear.scatter [tilespmem:s26], [sflag:$0x9], $0x2000, $0x38;
	[tilespmem:$0x1E040] =	vst v63  }
0x48: {  	_ =	swait.ge [sflag:s24], $0x2000  }
0x49: {  	[sflag:s24] =	ssyncset.done $0x0  }
0x4a: {  	s25 =	rddreg [dreg:$0xd];
	[sflag:s24] =	ssyncadd.s32 $0xFFFFE000  }
0x4b: {  	[spmem:s25] =	stream.linear.scatter [tilespmem:s26], [sflag:$0x9], $0x2000, $0x38;
	[tilespmem:$0x1E040] =	vst v63  }
0x4c: {  	_ =	swait.ge [sflag:s24], $0x2000  }
0x4d: {  	[sflag:s24] =	ssyncset.done $0x0  }
0x4e: {  	s10 =	simm.s32 @p0 $0x1;
	[sflag:s24] =	ssyncadd.s32 $0xFFFFE000  }
0x4f: {  	_ =	swait.ge @p0 [sflag:s10], $0xC80  }
0x50: {  	[sflag:s10] =	ssyncset.done @p0 $0x0  }
0x51: {  	[sflag:s10] =	ssyncadd.s32 @p0 $0xFFFFF380;
	s10 =	simm.s32 @!p0 $0x1  }
0x52: {  	_ =	swait.ge @!p0 [sflag:s10], $0x1400  }
0x53: {  	[sflag:s10] =	ssyncset.done @!p0 $0x0  }
0x54: {  	s28 =	simm.s32 $0x1000;
	[sflag:s10] =	ssyncadd.s32 @!p0 $0xFFFFEC00  }
0x55: {  	s22 =	simm.s32 $0x0;
	s25 =	simm.s32 $0x0;
	[bflag:$0x0] =	sbarrier.arrive $0xFFFF  }
.LBB2_4:
0x56: {  	s10 =	sshll.u32 s25, $0xC  }
0x57: {  	s10 =	sadd.s32 s15, s10  }
0x58: {  	s10 =	sshrl.u32 s10, $0x3  }
0x59: {  	s19 =	sadd.s32 s5, s10  }
0x5a: {  	[tilespmem:s22], [sflag:$0x9] =	stream.linear.gather [hbm4b:s19+s22], $0x1000, $0x38;
	[tilespmem:$0x1E040] =	vst v63  }
0x5b: {  	_ =	swait.ge [sflag:s24], $0x1000  }
0x5c: {  	[sflag:s24] =	ssyncset.done $0x0  }
0x5d: {  	s10 =	sadd.s32 s6, s10;
	[sflag:s24] =	ssyncadd.s32 $0xFFFFF000  }
0x5e: {  	[tilespmem:s28], [sflag:$0x9] =	stream.linear.gather [hbm4b:s10+s22], $0x1000, $0x38;
	[tilespmem:$0x1E040] =	vst v63  }
0x5f: {  	_ =	swait.ge [sflag:s24], $0x1000  }
0x60: {  	[sflag:s24] =	ssyncset.done $0x0  }
0x61: {  	[sflag:s24] =	ssyncadd.s32 $0xFFFFF000  }
0x62: {  	[tilespmem:s26], [sflag:$0x1] =	stream.indirect.gather [spmem:s1], $0x40, s22, s29, $0xb8;
	[tilespmem:$0x1E040] =	vst v63  }
0x63: {  	_ = 	snop  }
0x64: {  	[tilespmem:s30], [sflag:$0x2] =	stream.indirect.gather [spmem:s1], $0x40, s29, s29, $0xb8;
	[tilespmem:$0x1E040] =	vst v63  }
0x65: {  	_ = 	snop  }
0x66: {  	[tilespmem:s0], [sflag:$0x3] =	stream.indirect.gather [spmem:s1], $0x40, s31, s29, $0xb8;
	[tilespmem:$0x1E040] =	vst v63  }
0x67: {  	_ = 	snop  }
0x68: {  	[tilespmem:s4], [sflag:$0x4] =	stream.indirect.gather [spmem:s1], $0x40, s3, s29, $0xb8;
	[tilespmem:$0x1E040] =	vst v63  }
0x69: {  	_ =	swait.ge [sflag:s23], $0x2000  }
0x6a: {  	[sflag:s23] =	ssyncset.done $0x0  }
0x6b: {  	s21 =	simm.s32 $0x1000;
	[sflag:s23] =	ssyncadd.s32 $0xFFFFE000  }
0x6c: {  	[spmem:s2] =	stream.indirect.scatter.add.f32 [tilespmem:s26], [sflag:$0x5], $0x40, s21, s29, $0xb8;
	[tilespmem:$0x1E040] =	vst v63  }
0x6d: {  	_ =	swait.ge [sflag:s7], $0x2000  }
0x6e: {  	[sflag:s7] =	ssyncset.done $0x0  }
0x6f: {  	s19 =	simm.s32 $0x1080;
	[sflag:s7] =	ssyncadd.s32 $0xFFFFE000  }
0x70: {  	[spmem:s2] =	stream.indirect.scatter.add.f32 [tilespmem:s30], [sflag:$0x6], $0x40, s19, s29, $0xb8;
	[tilespmem:$0x1E040] =	vst v63  }
0x71: {  	_ =	swait.ge [sflag:s8], $0x2000  }
0x72: {  	[sflag:s8] =	ssyncset.done $0x0  }
0x73: {  	s21 =	simm.s32 $0x1100;
	[sflag:s8] =	ssyncadd.s32 $0xFFFFE000  }
0x74: {  	[spmem:s2] =	stream.indirect.scatter.add.f32 [tilespmem:s0], [sflag:$0x7], $0x40, s21, s29, $0xb8;
	[tilespmem:$0x1E040] =	vst v63  }
0x75: {  	_ =	swait.ge [sflag:s9], $0x2000  }
0x76: {  	[sflag:s9] =	ssyncset.done $0x0  }
0x77: {  	s19 =	simm.s32 $0x1180;
	[sflag:s9] =	ssyncadd.s32 $0xFFFFE000  }
0x78: {  	[spmem:s2] =	stream.indirect.scatter.add.f32 [tilespmem:s4], [sflag:$0x8], $0x40, s19, s29, $0xb8;
	[tilespmem:$0x1E040] =	vst v63  }
0x79: {  	_ =	swait.ge [sflag:s11], $0x2000  }
0x7a: {  	[sflag:s11] =	ssyncset.done $0x0  }
0x7b: {  	s21 =	simm.s32 $0x200;
	[sflag:s11] =	ssyncadd.s32 $0xFFFFE000  }
0x7c: {  	[tilespmem:s26], [sflag:$0x1] =	stream.indirect.gather [spmem:s1], $0x40, s21, s29, $0xb8;
	[tilespmem:$0x1E040] =	vst v63  }
0x7d: {  	_ =	swait.ge [sflag:s12], $0x2000  }
0x7e: {  	[sflag:s12] =	ssyncset.done $0x0  }
0x7f: {  	s19 =	simm.s32 $0x280;
	[sflag:s12] =	ssyncadd.s32 $0xFFFFE000  }
0x80: {  	[tilespmem:s30], [sflag:$0x2] =	stream.indirect.gather [spmem:s1], $0x40, s19, s29, $0xb8;
	[tilespmem:$0x1E040] =	vst v63  }
0x81: {  	_ =	swait.ge [sflag:s13], $0x2000  }
0x82: {  	[sflag:s13] =	ssyncset.done $0x0  }
0x83: {  	s21 =	simm.s32 $0x300;
	[sflag:s13] =	ssyncadd.s32 $0xFFFFE000  }
0x84: {  	[tilespmem:s0], [sflag:$0x3] =	stream.indirect.gather [spmem:s1], $0x40, s21, s29, $0xb8;
	[tilespmem:$0x1E040] =	vst v63  }
0x85: {  	_ =	swait.ge [sflag:s14], $0x2000  }
0x86: {  	[sflag:s14] =	ssyncset.done $0x0  }
0x87: {  	s10 =	simm.s32 $0x380;
	s19 =	simm.s32 $0x800;
	[sflag:s14] =	ssyncadd.s32 $0xFFFFE000  }
.LBB2_5:
0x88: {  	[tilespmem:s4], [sflag:$0x4] =	stream.indirect.gather [spmem:s1], $0x40, s10, s29, $0xb8;
	[tilespmem:$0x1E040] =	vst v63  }
0x89: {  	s10 =	smov.u32 s19  }
0x8a: {  	p1 =	sne.s32 s19, $0x3000;
	s19 =	sadd.s32 $0x800, s19;
	_ =	swait.ge [sflag:s23], $0x2000  }
0x8b: {  	s10 =	sshra.s32 s10, $0x2;
	[sflag:s23] =	ssyncset.done $0x0  }
0x8c: {  	s21 =	sadd.s32 $0x1000, s10;
	[sflag:s23] =	ssyncadd.s32 $0xFFFFE000  }
0x8d: {  	[spmem:s2] =	stream.indirect.scatter.add.f32 [tilespmem:s26], [sflag:$0x5], $0x40, s21, s29, $0xb8;
	[tilespmem:$0x1E040] =	vst v63  }
0x8e: {  	_ =	swait.ge [sflag:s7], $0x2000  }
0x8f: {  	[sflag:s7] =	ssyncset.done $0x0  }
0x90: {  	s21 =	sadd.s32 $0x1080, s10;
	[sflag:s7] =	ssyncadd.s32 $0xFFFFE000  }
0x91: {  	[spmem:s2] =	stream.indirect.scatter.add.f32 [tilespmem:s30], [sflag:$0x6], $0x40, s21, s29, $0xb8;
	[tilespmem:$0x1E040] =	vst v63  }
0x92: {  	_ =	swait.ge [sflag:s8], $0x2000  }
0x93: {  	[sflag:s8] =	ssyncset.done $0x0  }
0x94: {  	s21 =	sadd.s32 $0x1100, s10;
	[sflag:s8] =	ssyncadd.s32 $0xFFFFE000  }
0x95: {  	[spmem:s2] =	stream.indirect.scatter.add.f32 [tilespmem:s0], [sflag:$0x7], $0x40, s21, s29, $0xb8;
	[tilespmem:$0x1E040] =	vst v63  }
0x96: {  	_ =	swait.ge [sflag:s9], $0x2000  }
0x97: {  	[sflag:s9] =	ssyncset.done $0x0  }
0x98: {  	s21 =	sadd.s32 $0x1180, s10;
	[sflag:s9] =	ssyncadd.s32 $0xFFFFE000  }
0x99: {  	[spmem:s2] =	stream.indirect.scatter.add.f32 [tilespmem:s4], [sflag:$0x8], $0x40, s21, s29, $0xb8;
	[tilespmem:$0x1E040] =	vst v63  }
0x9a: {  	_ =	swait.ge [sflag:s11], $0x2000  }
0x9b: {  	[sflag:s11] =	ssyncset.done $0x0  }
0x9c: {  	s21 =	sadd.s32 $0x200, s10;
	[sflag:s11] =	ssyncadd.s32 $0xFFFFE000  }
0x9d: {  	[tilespmem:s26], [sflag:$0x1] =	stream.indirect.gather [spmem:s1], $0x40, s21, s29, $0xb8;
	[tilespmem:$0x1E040] =	vst v63  }
0x9e: {  	_ =	swait.ge [sflag:s12], $0x2000  }
0x9f: {  	[sflag:s12] =	ssyncset.done $0x0  }
0xa0: {  	s21 =	sadd.s32 $0x280, s10;
	[sflag:s12] =	ssyncadd.s32 $0xFFFFE000  }
0xa1: {  	[tilespmem:s30], [sflag:$0x2] =	stream.indirect.gather [spmem:s1], $0x40, s21, s29, $0xb8;
	[tilespmem:$0x1E040] =	vst v63  }
0xa2: {  	_ =	swait.ge [sflag:s13], $0x2000  }
0xa3: {  	[sflag:s13] =	ssyncset.done $0x0  }
.Ltmp1:
0xa4: {  	s21 =	sadd.s32 $0x300, s10;
	[sflag:s13] =	ssyncadd.s32 $0xFFFFE000;
	(pc) =	sbr.rel @p1 .LBB2_5-.Ltmp1, $4  }
0xa5: {  	[tilespmem:s0], [sflag:$0x3] =	stream.indirect.gather [spmem:s1], $0x40, s21, s29, $0xb8;
	[tilespmem:$0x1E040] =	vst v63  }
0xa6: {  	_ =	swait.ge [sflag:s14], $0x2000  }
0xa7: {  	[sflag:s14] =	ssyncset.done $0x0  }
0xa8: {  	s10 =	sadd.s32 $0x380, s10;
	[sflag:s14] =	ssyncadd.s32 $0xFFFFE000  }
0xa9: {  	[tilespmem:s4], [sflag:$0x4] =	stream.indirect.gather [spmem:s1], $0x40, s10, s29, $0xb8;
	[tilespmem:$0x1E040] =	vst v63  }
0xaa: {  	_ =	swait.ge [sflag:s23], $0x2000  }
0xab: {  	[sflag:s23] =	ssyncset.done $0x0  }
0xac: {  	[sflag:s23] =	ssyncadd.s32 $0xFFFFE000  }
0xad: {  	[spmem:s2] =	stream.indirect.scatter.add.f32 [tilespmem:s26], [sflag:$0x5], $0x40, s16, s29, $0xb8;
	[tilespmem:$0x1E040] =	vst v63  }
0xae: {  	_ =	swait.ge [sflag:s7], $0x2000  }
0xaf: {  	[sflag:s7] =	ssyncset.done $0x0  }
0xb0: {  	[sflag:s7] =	ssyncadd.s32 $0xFFFFE000  }
0xb1: {  	[spmem:s2] =	stream.indirect.scatter.add.f32 [tilespmem:s30], [sflag:$0x6], $0x40, s17, s29, $0xb8;
	[tilespmem:$0x1E040] =	vst v63  }
0xb2: {  	_ =	swait.ge [sflag:s8], $0x2000  }
0xb3: {  	[sflag:s8] =	ssyncset.done $0x0  }
0xb4: {  	[sflag:s8] =	ssyncadd.s32 $0xFFFFE000  }
0xb5: {  	[spmem:s2] =	stream.indirect.scatter.add.f32 [tilespmem:s0], [sflag:$0x7], $0x40, s18, s29, $0xb8;
	[tilespmem:$0x1E040] =	vst v63  }
0xb6: {  	_ =	swait.ge [sflag:s9], $0x2000  }
0xb7: {  	[sflag:s9] =	ssyncset.done $0x0  }
0xb8: {  	[sflag:s9] =	ssyncadd.s32 $0xFFFFE000  }
0xb9: {  	[spmem:s2] =	stream.indirect.scatter.add.f32 [tilespmem:s4], [sflag:$0x8], $0x40, s20, s29, $0xb8;
	[tilespmem:$0x1E040] =	vst v63  }
0xba: {  	_ =	swait.ge [sflag:s11], $0x2000  }
0xbb: {  	[sflag:s11] =	ssyncset.done $0x0  }
0xbc: {  	[sflag:s11] =	ssyncadd.s32 $0xFFFFE000  }
0xbd: {  	_ =	swait.ge [sflag:s12], $0x2000  }
0xbe: {  	[sflag:s12] =	ssyncset.done $0x0  }
0xbf: {  	s25 =	sadd.s32 $0x1, s25;
	[sflag:s12] =	ssyncadd.s32 $0xFFFFE000  }
0xc0: {  	p1 =	sne.s32 s25, $0x5;
	_ =	swait.ge [sflag:s13], $0x2000  }
.Ltmp2:
0xc1: {  	[sflag:s13] =	ssyncset.done $0x0;
	(pc) =	sbr.rel @p1 .LBB2_4-.Ltmp2, $4  }
0xc2: {  	[sflag:s13] =	ssyncadd.s32 $0xFFFFE000  }
0xc3: {  	_ =	swait.ge [sflag:s14], $0x2000  }
0xc4: {  	[sflag:s14] =	ssyncset.done $0x0  }
0xc5: {  	[sflag:s14] =	ssyncadd.s32 $0xFFFFE000  }
0xc6: {  	[bflag:$0x0] =	sbarrier.arrive $0xFFFF  }
0xc7: {  	s28 =	simm.s32 @p0 $0x8;
	s22 =	simm.s32 @p0 $0x1FC9;
	s25 =	rddreg [dreg:$0xf]  }
0xc8: {  	s19 =	simm.s32 @p0 $0x1;
	s21 =	simm.s32 @p0 $0x10;
	s10 =	rddreg [dreg:$0x15]  }
0xc9: {  	[hbm:s25@s21], [sflag:s22] =	dma.strided @p0 [spmem:s10@s28], $0xC80, s19, $0x8   }
0xca: {  	s10 =	simm.s32 @p0 $0x9  }
0xcb: {  	s28 =	simm.s32 @!p0 $0x10;
	_ =	swait.ge @p0 [sflag:s10], $0xC80  }
0xcc: {  	s25 =	simm.s32 @!p0 $0x8;
	[sflag:s10] =	ssyncset.done @p0 $0x0;
	s19 =	rddreg [dreg:$0x9]  }
0xcd: {  	s22 =	simm.s32 @!p0 $0x1;
	[sflag:s10] =	ssyncadd.s32 @p0 $0xFFFFF380;
	s10 =	rddreg [dreg:$0x11]  }
0xce: {  	s21 =	rddreg [dreg:$0xe];
	s19 =	sshrl.u32 @!p0 s19, $0x3;
	s10 =	sor.u32 @!p0 $0x1C09, s10  }
0xcf: {  	[hbm:s21@s28], [sflag:s10] =	dma.strided @!p0 [spmem:s19@s25], $0x1400, s22, $0x8   }
0xd0: {  	s10 =	simm.s32 @!p0 $0x9  }
0xd1: {  	_ =	swait.ge @!p0 [sflag:s10], $0x1400  }
0xd2: {  	s25 =	rddreg [dreg:$0x16]  }
0xd3: {  	s28 =	rddreg [dreg:$0x10];
	s21 =	sadd.s32 $0x1, s25  }
0xd4: {  	p1 =	sne.s32 s21, s28  }
.Ltmp3:
0xd5: {  	_ = 	snop;
	(pc) =	sbr.rel @p1 .LBB2_1-.Ltmp3, $3  }
0xd6: {  	_ =	sdelay $0x1  }
0xd7: {  	[sflag:s10] =	ssyncset.done @!p0 $0x0  }
0xd8: {  	[sflag:s10] =	ssyncadd.s32 @!p0 $0xFFFFEC00  }
0xd9: {  	_ =	sfence.sel $0x180000  }
0xda: {  	[bflag:$0x0] =	sbarrier.arrive $0xFFFF  }
0xdb: {  	_ =	strace $0x90000047  }
0xdc: {  	s0 =	stileid.u32;
	[bflag:$0x2] =	sbarrier.arrive $0xFFFF  }
0xdd: {  	p0 =	sne.s32 s0, $0x0;
	s0 =	rddreg [dreg:$0x5]  }
0xde: {  	s0 =	sadd.s32 @!p0 $0x100000, s0  }
0xdf: {  	[sflag:s0] =	ssyncadd.tile.s32 @!p0 $0x1;
	_ =	shalt  }
.Lfunc_end2:
_tile_overlayer_lowered:
.L_overlay_start_2:
0xe0: {  	(tag) =	ssettag $0x2  }
0xe1: {  	s0 =	rddreg [dreg:$0x0];
	s2 =	stileid.u32  }
0xe2: {  	s1 =	rddreg [dreg:$0x1];
	p0 =	sne.s32 s2, $0x0  }
0xe3: {  	s3 =	rddreg [dreg:$0x2];
	[bflag:$0x3] =	sbarrier.arrive $0xFFFF;
	s2 =	simm.s32 @!p0 $0x1C09  }
0xe4: {  	[timem:s3], [sflag:s2] =	dma.local @!p0 [hbm:s0], s1  }
0xe5: {  	s0 =	simm.s32 @!p0 $0x9  }
0xe6: {  	_ =	swait.ge @!p0 [sflag:s0], s1  }
0xe7: {  	s1 =	ssub.s32 @!p0 $0x0, s1;
	[sflag:s0] =	ssyncset.done @!p0 $0x0  }
0xe8: {  	[sflag:s0] =	ssyncadd.s32 @!p0 s1  }
0xe9: {  	[bflag:$0x3] =	sbarrier.arrive $0xFFFF  }
0xea: {  	_ =	shalt  }

// kernel: kernel.8.cloned.1.call-start
scs
__scs_entry_jumppad:
0x0: {  	(pc) =	sbr.rel $0x88, $3  }
0x1: {  	(tag) =	ssettag $0x0;
	lr =	simm.s32 $0x1  }
0x2: {  	[smem:$0x3F9B] =	sst lr;
	_ =	strace $0xD0000000  }
0x3: {  	_ = 	snop  }
0x4: {  	_ = 	snop  }
0x5: {  	_ = 	snop  }
0x6: {  	_ = 	snop  }
0x7: {  	_ = 	snop  }
__scs_overlays_trampoline_lowered:
0x8: {  	[smem:$0x3FAA] =	sst s0  }
0x9: {  	[smem:$0x3FAB] =	sst s1  }
0xa: {  	[smem:$0x3FAC] =	sst s2  }
0xb: {  	[smem:$0x3FAD] =	sst s3  }
0xc: {  	[smem:$0x3FAE] =	sst s4  }
0xd: {  	[smem:$0x3FAF] =	sst s5  }
0xe: {  	[smem:$0x3FB0] =	sst s6  }
0xf: {  	[smem:$0x3FB1] =	sst s7  }
0x10: {  	[smem:$0x3FB2] =	sst s8  }
0x11: {  	[smem:$0x3FB3] =	sst s9;
	s0 =	simm.s32 @!p0 $0x0  }
0x12: {  	s1 =	sld [smem:$0x3F99];
	s0 =	simm.s32 @p0 $0x1  }
0x13: {  	[smem:$0x3FB4] =	sst s0;
	s0 =	simm.s32 @!p1 $0x0  }
0x14: {  	s2 =	sld [smem:$0x3F98];
	s0 =	simm.s32 @p1 $0x1  }
0x15: {  	[smem:$0x3FB5] =	sst s0;
	s0 =	simm.s32 @!p2 $0x0  }
0x16: {  	s3 =	sld [smem:$0x3FDB];
	s0 =	simm.s32 @p2 $0x1  }
0x17: {  	s4 =	simm.s32 $0x1BF5;
	[smem:$0x3FB7] =	sst s0  }
0x18: {  	s0 =	sld [smem:$0x3F9A];
	_ =	swait.ge [sflag:s4], $0x0  }
0x19: {  	s7 =	sld [smem:$0x3F9B]  }
0x1a: {  	s8 =	sadd.s32 $0xFFFFE003, lr  }
0x1b: {  	s9 =	sadd.s32 $0xFFFFFEF7, lr;
	s5 =	simm.s32 $0xFFFFFFFF;
	p2 =	slt.u32 s8, $0xFFFFF086  }
0x1c: {  	p1 =	slt.u32 s9, $0xF7A;
	s5 =	simm.s32 @!p2 $0x0  }
0x1d: {  	s5 =	simm.s32 @p1 $0x1;
	p0 =	seq.s32 s7, s2  }
0x1e: {  	s7 =	smul.u32 @!p0 $0xF7A, s2;
	p2 =	seq.s32 @!p0 s5, $0x0  }
0x1f: {  	s9 =	smul.u32 $0xF7A, s1;
	s8 =	simm.s32 @!p0 $0x1BF5;
	p2 =	por !p2, p0  }
0x20: {  	[sflag:s8] =	ssyncset.s32 @!p0 $0xFFFFF086;
	s6 =	sadd.s32 @!p0 s3, s7;
	s7 =	simm.s32 @!p0 $0x108  }
0x21: {  	s3 =	sadd.s32 s3, s9;
	s6 =	sadd.s32 @!p0 $0x88, s6;
	s7 =	simm.s32 @p2 $0x1082  }
0x22: {  	[simem:s7], [sflag:s8] =	dma.local @!p0 [hbm:s6], $0xF7A  }
0x23: {  	s9 =	sor.u32 $0xD0000000, s2;
	s6 =	simm.s32 $0x108;
	_ =	swait.ge @!p0 [sflag:s8], $0x0  }
0x24: {  	s3 =	sadd.s32 $0x88, s3;
	s6 =	simm.s32 @!p1 $0x1082;
	[sflag:s4] =	ssyncset.s32 $0xFFFFF086  }
0x25: {  	[simem:s6], [sflag:s4] =	dma.local [hbm:s3], $0xF7A  }
0x26: {  	[smem:$0x3F9B] =	sst s1;
	(tag) =	ssettag s2;
	_ =	strace s9  }
0x27: {  	s1 =	sld [smem:$0x3FAB]  }
0x28: {  	s2 =	sld [smem:$0x3FAC]  }
0x29: {  	s4 =	sld [smem:$0x3FAE]  }
0x2a: {  	p0 =	seq.s32 s5, $0x0;
	s5 =	sld [smem:$0x3FAF]  }
0x2b: {  	s6 =	sld [smem:$0x3FB0]  }
0x2c: {  	s7 =	sld [smem:$0x3FB1]  }
0x2d: {  	s3 =	simm.s32 $0x108;
	s8 =	sld [smem:$0x3FB2]  }
0x2e: {  	s3 =	simm.s32 @!p0 $0x1082;
	s9 =	sld [smem:$0x3FB3]  }
0x2f: {  	lr =	sadd.s32 s0, s3;
	s0 =	sld [smem:$0x3FAA]  }
0x30: {  	s3 =	sld [smem:$0x3FAD]  }
0x31: {  	[smem:$0x3FB6] =	sst s10  }
0x32: {  	s10 =	sld [smem:$0x3FB4];
	_ =	sdelay $0x3  }
0x33: {  	p0 =	seq.s32 s10, $0x1;
	s10 =	sld [smem:$0x3FB6];
	_ =	sdelay $0x3  }
0x34: {  	[smem:$0x3FB6] =	sst s10  }
0x35: {  	s10 =	sld [smem:$0x3FB5];
	_ =	sdelay $0x3  }
0x36: {  	p1 =	seq.s32 s10, $0x1;
	s10 =	sld [smem:$0x3FB6];
	_ =	sdelay $0x3  }
0x37: {  	[smem:$0x3FB6] =	sst s10  }
0x38: {  	s10 =	sld [smem:$0x3FB7]  }
0x39: {  	_ = 	snop;
	(pc) =	sbr.ind lr, $3  }
0x3a: {  	_ = 	snop  }
0x3b: {  	_ = 	snop  }
0x3c: {  	p2 =	seq.s32 s10, $0x1;
	s10 =	sld [smem:$0x3FB6]  }
0x3d: {  	_ =	shalt  }
0x3e: {  	_ =	shalt  }
0x3f: {  	_ =	shalt  }
0x40: {  	_ =	shalt  }
0x41: {  	_ =	shalt  }
0x42: {  	_ =	shalt  }
0x43: {  	_ =	shalt  }
0x44: {  	_ =	shalt  }
0x45: {  	_ =	shalt  }
0x46: {  	_ =	shalt  }
0x47: {  	_ =	shalt  }
0x48: {  	_ =	shalt  }
0x49: {  	_ =	shalt  }
0x4a: {  	_ =	shalt  }
0x4b: {  	_ =	shalt  }
0x4c: {  	_ =	shalt  }
0x4d: {  	_ =	shalt  }
0x4e: {  	_ =	shalt  }
0x4f: {  	_ =	shalt  }
0x50: {  	_ =	shalt  }
0x51: {  	_ =	shalt  }
0x52: {  	_ =	shalt  }
0x53: {  	_ =	shalt  }
0x54: {  	_ =	shalt  }
0x55: {  	_ =	shalt  }
0x56: {  	_ =	shalt  }
0x57: {  	_ =	shalt  }
0x58: {  	_ =	shalt  }
0x59: {  	_ =	shalt  }
0x5a: {  	_ =	shalt  }
0x5b: {  	_ =	shalt  }
0x5c: {  	_ =	shalt  }
0x5d: {  	_ =	shalt  }
0x5e: {  	_ =	shalt  }
0x5f: {  	_ =	shalt  }
0x60: {  	_ =	shalt  }
0x61: {  	_ =	shalt  }
0x62: {  	_ =	shalt  }
0x63: {  	_ =	shalt  }
0x64: {  	_ =	shalt  }
0x65: {  	_ =	shalt  }
0x66: {  	_ =	shalt  }
0x67: {  	_ =	shalt  }
0x68: {  	_ =	shalt  }
0x69: {  	_ =	shalt  }
0x6a: {  	_ =	shalt  }
0x6b: {  	_ =	shalt  }
0x6c: {  	_ =	shalt  }
0x6d: {  	_ =	shalt  }
0x6e: {  	_ =	shalt  }
0x6f: {  	_ =	shalt  }
0x70: {  	_ =	shalt  }
0x71: {  	_ =	shalt  }
0x72: {  	_ =	shalt  }
0x73: {  	_ =	shalt  }
0x74: {  	_ =	shalt  }
0x75: {  	_ =	shalt  }
0x76: {  	_ =	shalt  }
0x77: {  	_ =	shalt  }
0x78: {  	_ =	shalt  }
0x79: {  	_ =	shalt  }
0x7a: {  	_ =	shalt  }
0x7b: {  	_ =	shalt  }
0x7c: {  	_ =	shalt  }
0x7d: {  	_ =	shalt  }
0x7e: {  	_ =	shalt  }
0x7f: {  	_ =	shalt  }
0x80: {  	_ =	shalt  }
0x81: {  	_ =	shalt  }
0x82: {  	_ =	shalt  }
0x83: {  	_ =	shalt  }
0x84: {  	_ =	shalt  }
0x85: {  	_ =	shalt  }
0x86: {  	_ =	shalt  }
0x87: {  	_ =	shalt  }
.Lfunc_end0:
.L_simem_size_0:
called_computation.1_lowered:
.L_overlay_start_0:
0x88: {  	s2 =	sld [smem:$0x3FD9]  }
0x89: {  	s3 =	sld [smem:$0x3FFE];
	_ =	sdelay $0x1  }
0x8a: {  	s1 =	srdreg.scid  }
0x8b: {  	s0 =	sand.u32 $0x1, s1  }
0x8c: {  	s17 =	sshll.u32 s0, $0xA;
	s2 =	sadd.s32 s3, s2  }
0x8d: {  	s2 =	sadd.s32 s2, s17  }
0x8e: {  	[smem:$0x3FC2] =	sst s2  }
0x8f: {  	_ = 	snop  }
0x90: {  	s2 =	sld [smem:$0x3FC4]  }
0x91: {  	s18 =	sld [smem:$0x3FD0];
	(tm) =	ssettm $0x1  }
0x92: {  	s4 =	sld [smem:$0x3FFB];
	_ =	sdelay $0x3  }
0x93: {  	_ =	strace s4  }
0x94: {  	s4 =	sld [smem:$0x3FFC];
	_ =	sdelay $0x3  }
0x95: {  	_ =	strace s4  }
0x96: {  	s4 =	sld [smem:$0x3FFD];
	_ =	sdelay $0x3  }
0x97: {  	_ =	strace s4  }
0x98: {  	_ =	strace $0x8FFFFFFF  }
0x99: {  	s19 =	sld [smem:$0x3FDB];
	_ =	sdelay $0x1  }
0x9a: {  	s5 =	simm.s32 $_scs_section_size  }
0x9b: {  	s6 =	simm.s32 $_size__tile_overlayer_lowered;
	s7 =	simm.s32 $_tile_overlayer_lowered  }
0x9c: {  	s22 =	simm.s32 $0x1BFF;
	s21 =	sshll.u32 s7, $0x1;
	s4 =	sadd.s32 s5, s19  }
0x9d: {  	s8 =	simm.s32 $0x0;
	s20 =	sshll.u32 s6, $0x1;
	s6 =	sadd.s32 s21, s4  }
0x9e: {  	[timem:s8], [sflag:s22] =	dma.local [hbm:s6], s20  }
0x9f: {  	_ =	swait.ge [sflag:s22], s20  }
0xa0: {  	s5 =	ssub.s32 $0x0, s20;
	[sflag:s22] =	ssyncset.done $0x0  }
0xa1: {  	[sflag:s22] =	ssyncadd.s32 s5;
	_ =	sdelay $0x1  }
0xa2: {  	s23 =	simm.s32 $0x1B8B  }
0xa3: {  	_ =	swait.ge [sflag:s23], $0x1  }
0xa4: {  	[sflag:s23] =	ssyncset.done $0x0  }
0xa5: {  	s25 =	simm.s32 $0x1B8E;
	s24 =	sld [smem:$0x3FFE];
	[sflag:s23] =	ssyncadd.s32 $0xFFFFFFFF  }
0xa6: {  	s26 =	simm.s32 $execute0_lowered;
	[smem:$0x3FD2] =	sst s25  }
0xa7: {  	s6 =	sshll.u32 s26, $0x1;
	_ =	strace $0x80000049;
	[dreg:$0x1] =	wrdreg $0xFFFFFFFF  }
0xa8: {  	s28 =	simm.s32 $_size_execute0_lowered;
	s4 =	sadd.s32 s4, s6;
	[dreg:$0x0] =	wrdreg $0x0  }
0xa9: {  	s6 =	sshll.u32 s28, $0x1;
	[dreg:$0x2] =	wrdreg s4  }
0xaa: {  	[dreg:$0x3] =	wrdreg s6  }
0xab: {  	[dreg:$0x4] =	wrdreg $0xC0  }
0xac: {  	_ =	task [dreg:s8], $0x5FFFF  }
0xad: {  	[dreg:$0x1] =	wrdreg $0xFFFFFFFF  }
0xae: {  	[dreg:$0x0] =	wrdreg $0x60  }
0xaf: {  	[dreg:$0x2] =	wrdreg s24  }
0xb0: {  	[dreg:$0x3] =	wrdreg s2  }
0xb1: {  	[dreg:$0x4] =	wrdreg s18  }
0xb2: {  	[dreg:$0x5] =	wrdreg $0xA0400  }
0xb3: {  	[dreg:$0x6] =	wrdreg $0x140400  }
0xb4: {  	[dreg:$0x7] =	wrdreg $0x9  }
0xb5: {  	_ =	task.clear_ibuf [dreg:s8], $0x8FFFF;
	_ =	strace $0x90000049  }
0xb6: {  	s29 =	simm.s32 $0x9;
	_ =	strace $0x8000004B  }
0xb7: {  	_ =	swait.ge [sflag:s29], $0x1  }
0xb8: {  	[sflag:s29] =	ssyncadd.s32 $0xFFFFFFFF  }
0xb9: {  	_ =	strace $0x9000004B  }
0xba: {  	_ =	sfence  }
0xbb: {  	s30 =	sld [smem:$0x0];
	_ =	sdelay $0x2  }
0xbc: {  	s31 =	sshll.u32 s1, $0xD;
	s1 =	sshrl.u32 s1, $0x2  }
0xbd: {  	s3 =	sand.u32 $0x4000, s31;
	s1 =	sadd.s32 s1, s30  }
0xbe: {  	s0 =	sor.u32 s3, s0;
	s1 =	sshll.u32 s1, $0x11  }
0xbf: {  	s0 =	sor.u32 s1, s0  }
0xc0: {  	s0 =	sadd.s32 $0x8F2B, s0  }
0xc1: {  	[sflag:s0] =	ssyncadd.remote.s32 $0x1  }
0xc2: {  	_ =	sfence.sel $0xFFFF  }
0xc3: {  	[dreg:$0x0] =	wrdreg $0xFFFFFFFF;
	(pc) =	sbr.abs _section_cstart, $3  }
0xc4: {  	[dreg:$0x1] =	wrdreg $0xFFFFFFFF  }
0xc5: {  	_ =	task.clear_ibuf [dreg:s8], $0x2FFFF;
	_ =	strace $0x9FFFFFFF  }
0xc6: {  	(tm) =	ssettm $0x7FFFFFFF  }
0xc7: {  	_ =	shalt  }
tec
execute0_lowered:
.L_overlay_start_1:
0x0: {  	(tag) =	ssettag $0x1  }
0x1: {  	s0 =	rddreg [dreg:$0x0]  }
0x2: {  	s3 =	rddreg [dreg:$0x1]  }
0x3: {  	s4 =	rddreg [dreg:$0x2]  }
0x4: {  	s1 =	rddreg [dreg:$0x3]  }
0x5: {  	s2 =	rddreg [dreg:$0x4];
	s5 =	simm.s32 $0x0  }
0x6: {  	s19 =	srdreg.scid;
	s13 =	stileid.u32;
	s29 =	simm.s32 $0x80  }
0x7: {  	s30 =	simm.s32 $0x4000;
	s31 =	simm.s32 $0x100;
	s14 =	simm.s32 $0x8  }
0x8: {  	s16 =	simm.s32 $0x1E00;
	s17 =	simm.s32 $0x1E80;
	s18 =	simm.s32 $0x1F00  }
0x9: {  	[smem:$0x7FF] =	sst s5;
	s7 =	sadd.s32 $0x14A00, s0;
	s9 =	smul.u32 $0x14000, s13  }
0xa: {  	s8 =	sand.u32 $0x1, s19;
	s5 =	sadd.s32 $0xAA00, s0;
	s11 =	smul.u32 $0x28000, s13  }
0xb: {  	s6 =	sadd.s32 $0xA00, s0;
	s15 =	smul.u32 $0x5000, s13;
	p0 =	seq.s32 s13, $0xF  }
0xc: {  	_ =	strace $0x8000004A;
	s10 =	ssub.s32 $0x2, s8;
	s12 =	sshll.u32 s8, $0x6  }
0xd: {  	s8 =	sshll.u32 s8, $0x3;
	s20 =	sshrl.u32 s10, $0x1;
	s9 =	sor.u32 s12, s9  }
0xe: {  	s21 =	sshrl.u32 s11, $0x2;
	s12 =	sadd.s32 $0x96000, s1;
	s3 =	sadd.s32 s3, s8  }
0xf: {  	s28 =	sadd.s32 s8, s4;
	s0 =	ssub.s32 s10, s20;
	s11 =	sadd.s32 s21, s1  }
0x10: {  	s9 =	sshrl.u32 s9, $0x3;
	[dreg:$0x8] =	wrdreg s3;
	s23 =	sadd.s32 s21, s2  }
0x11: {  	s20 =	simm.s32 $0x1F80;
	s22 =	sadd.s32 s7, s9;
	[dreg:$0x9] =	wrdreg s23  }
0x12: {  	s21 =	simm.s32 $0x0;
	s24 =	sadd.s32 $0x2000, s23;
	[dreg:$0x6] =	wrdreg s22  }
0x13: {  	s7 =	sadd.s32 s8, s7;
	s25 =	sadd.s32 $0x4000, s23;
	[dreg:$0xa] =	wrdreg s24  }
0x14: {  	s26 =	sadd.s32 $0x6000, s23;
	s3 =	sadd.s32 $0x8000, s23;
	[dreg:$0xb] =	wrdreg s25  }
0x15: {  	s4 =	sadd.s32 s4, s9;
	s0 =	smax.u32 s0, $0x1;
	[dreg:$0xc] =	wrdreg s26  }
0x16: {  	s23 =	simm.s32 $0x1;
	s8 =	simm.s32 $0x3;
	[dreg:$0xd] =	wrdreg s3  }
0x17: {  	s9 =	simm.s32 $0x4;
	s7 =	sadd.s32 $0x25800, s7;
	[dreg:$0xe] =	wrdreg s4  }
0x18: {  	s3 =	sadd.s32 $0x25800, s28;
	[dreg:$0x10] =	wrdreg s0;
	s0 =	sshll.u32 @!p0 s13, $0x6  }
0x19: {  	s4 =	sshrl.u32 @p0 s12, $0x3;
	s24 =	simm.s32 $0x9;
	[dreg:$0x7] =	wrdreg s7  }
0x1a: {  	s26 =	simm.s32 $0x2000;
	s12 =	simm.s32 $0x6;
	[dreg:$0xf] =	wrdreg s3  }
0x1b: {  	s13 =	simm.s32 $0x7;
	s3 =	sadd.s32 $0x96000, s2;
	[dreg:$0x12] =	wrdreg s4  }
0x1c: {  	[dreg:$0x11] =	wrdreg s0;
	s0 =	sor.u32 @!p0 $0x1C01, s0;
	s4 =	simm.s32 $0x8000  }
0x1d: {  	s7 =	simm.s32 $0x2;
	[dreg:$0x13] =	wrdreg s0;
	s0 =	sshrl.u32 @!p0 s11, $0x3  }
0x1e: {  	s11 =	simm.s32 $0x5;
	[dreg:$0x14] =	wrdreg s0;
	s0 =	sshrl.u32 @p0 s3, $0x3  }
0x1f: {  	s3 =	simm.s32 $0x180;
	[dreg:$0x15] =	wrdreg s0;
	s0 =	simm.s32 $0x6000  }
.LBB2_1:
0x20: {  	[dreg:$0x16] =	wrdreg s21  }
0x21: {  	s28 =	simm.s32 @p0 $0x10;
	s25 =	simm.s32 @p0 $0x1FC1;
	s21 =	rddreg [dreg:$0x7]  }
0x22: {  	s10 =	rddreg [dreg:$0x12];
	s19 =	simm.s32 @p0 $0x1;
	s22 =	simm.s32 @p0 $0x8  }
0x23: {  	[spmem:s10@s22], [sflag:s25] =	dma.strided @p0 [hbm:s21@s28], $0xC80, s19, $0x8   }
0x24: {  	s21 =	rddreg [dreg:$0x6]  }
0x25: {  	s22 =	simm.s32 @!p0 $0x10;
	s25 =	rddreg [dreg:$0x13]  }
0x26: {  	s19 =	simm.s32 @!p0 $0x1;
	s28 =	simm.s32 @!p0 $0x8;
	s10 =	rddreg [dreg:$0x14]  }
0x27: {  	[spmem:s10@s28], [sflag:s25] =	dma.strided @!p0 [hbm:s21@s22], $0x1400, s19, $0x8   }
0x28: {  	s25 =	simm.s32 $0x0;
	s28 =	simm.s32 $0xA000;
	s19 =	rddreg [dreg:$0x8]  }
0x29: {  	[tilespmem:s28], [sflag:$0x9] =	stream.linear.gather [hbm4b:s19+s25], $0x40, $0x38;
	[tilespmem:$0x1E040] =	vst v63  }
0x2a: {  	_ =	swait.ge [sflag:s24], $0x40  }
0x2b: {  	[sflag:s24] =	ssyncset.done $0x0  }
0x2c: {  	[sflag:s24] =	ssyncadd.s32 $0xFFFFFFC0  }
0x2d: {  	v3 =	vld [tilespmem:$0xA030]  }
0x2e: {  	v2 =	vld [tilespmem:$0xA020]  }
0x2f: {  	v0 =	vld [tilespmem:$0xA000]  }
0x30: {  	v1 =	vld [tilespmem:$0xA010]  }
0x31: {  	s10 =	simm.s32 $0x0;
	s19 =	simm.s32 $0x100  }
.LBB2_2:
0x32: {  	p1 =	sne.s32 s19, $0x7F00;
	[tilespmem:s10+$0x2030] =	vst v3;
	s22 =	smov.u32 s19;
	s19 =	sadd.s32 $0x100, s19  }
.Ltmp0:
0x33: {  	[tilespmem:s10+$0x2020] =	vst v2;
	(pc) =	sbr.rel @p1 .LBB2_2-.Ltmp0, $3  }
0x34: {  	[tilespmem:s10+$0x2000] =	vst v0  }
0x35: {  	[tilespmem:s10+$0x2010] =	vst v1;
	_ =	sdelay $0x1  }
0x36: {  	s10 =	sshra.s32 s22, $0x2  }
0x37: {  	[tilespmem:s10+$0x2030] =	vst v3  }
0x38: {  	[tilespmem:s10+$0x2020] =	vst v2  }
0x39: {  	[tilespmem:s10+$0x2000] =	vst v0  }
0x3a: {  	[tilespmem:s10+$0x2010] =	vst v1;
	s25 =	rddreg [dreg:$0x9]  }
0x3b: {  	[spmem:s25] =	stream.linear.scatter [tilespmem:s26], [sflag:$0x9], $0x2000, $0x38;
	[tilespmem:$0x1E040] =	vst v63  }
0x3c: {  	_ =	swait.ge [sflag:s24], $0x2000  }
0x3d: {  	[sflag:s24] =	ssyncset.done $0x0  }
0x3e: {  	s19 =	rddreg [dreg:$0xa];
	[sflag:s24] =	ssyncadd.s32 $0xFFFFE000  }
0x3f: {  	[spmem:s19] =	stream.linear.scatter [tilespmem:s26], [sflag:$0x9], $0x2000, $0x38;
	[tilespmem:$0x1E040] =	vst v63  }
0x40: {  	_ =	swait.ge [sflag:s24], $0x2000  }
0x41: {  	[sflag:s24] =	ssyncset.done $0x0  }
0x42: {  	s21 =	rddreg [dreg:$0xb];
	[sflag:s24] =	ssyncadd.s32 $0xFFFFE000  }
0x43: {  	[spmem:s21] =	stream.linear.scatter [tilespmem:s26], [sflag:$0x9], $0x2000, $0x38;
	[tilespmem:$0x1E040] =	vst v63  }
0x44: {  	_ =	swait.ge [sflag:s24], $0x2000  }
0x45: {  	[sflag:s24] =	ssyncset.done $0x0  }
0x46: {  	s22 =	rddreg [dreg:$0xc];
	[sflag:s24] =	ssyncadd.s32 $0xFFFFE000  }
0x47: {  	[spmem:s22] =	stream.linear.scatter [tilespmem:s26], [sflag:$0x9], $0x2000, $0x38;
	[tilespmem:$0x1E040] =	vst v63  }
0x48: {  	_ =	swait.ge [sflag:s24], $0x2000  }
0x49: {  	[sflag:s24] =	ssyncset.done $0x0  }
0x4a: {  	s25 =	rddreg [dreg:$0xd];
	[sflag:s24] =	ssyncadd.s32 $0xFFFFE000  }
0x4b: {  	[spmem:s25] =	stream.linear.scatter [tilespmem:s26], [sflag:$0x9], $0x2000, $0x38;
	[tilespmem:$0x1E040] =	vst v63  }
0x4c: {  	_ =	swait.ge [sflag:s24], $0x2000  }
0x4d: {  	[sflag:s24] =	ssyncset.done $0x0  }
0x4e: {  	s10 =	simm.s32 @p0 $0x1;
	[sflag:s24] =	ssyncadd.s32 $0xFFFFE000  }
0x4f: {  	_ =	swait.ge @p0 [sflag:s10], $0xC80  }
0x50: {  	[sflag:s10] =	ssyncset.done @p0 $0x0  }
0x51: {  	[sflag:s10] =	ssyncadd.s32 @p0 $0xFFFFF380;
	s10 =	simm.s32 @!p0 $0x1  }
0x52: {  	_ =	swait.ge @!p0 [sflag:s10], $0x1400  }
0x53: {  	[sflag:s10] =	ssyncset.done @!p0 $0x0  }
0x54: {  	s28 =	simm.s32 $0x1000;
	[sflag:s10] =	ssyncadd.s32 @!p0 $0xFFFFEC00  }
0x55: {  	s22 =	simm.s32 $0x0;
	s25 =	simm.s32 $0x0;
	[bflag:$0x0] =	sbarrier.arrive $0xFFFF  }
.LBB2_4:
0x56: {  	s10 =	sshll.u32 s25, $0xC  }
0x57: {  	s10 =	sadd.s32 s15, s10  }
0x58: {  	s10 =	sshrl.u32 s10, $0x3  }
0x59: {  	s19 =	sadd.s32 s5, s10  }
0x5a: {  	[tilespmem:s22], [sflag:$0x9] =	stream.linear.gather [hbm4b:s19+s22], $0x1000, $0x38;
	[tilespmem:$0x1E040] =	vst v63  }
0x5b: {  	_ =	swait.ge [sflag:s24], $0x1000  }
0x5c: {  	[sflag:s24] =	ssyncset.done $0x0  }
0x5d: {  	s10 =	sadd.s32 s6, s10;
	[sflag:s24] =	ssyncadd.s32 $0xFFFFF000  }
0x5e: {  	[tilespmem:s28], [sflag:$0x9] =	stream.linear.gather [hbm4b:s10+s22], $0x1000, $0x38;
	[tilespmem:$0x1E040] =	vst v63  }
0x5f: {  	_ =	swait.ge [sflag:s24], $0x1000  }
0x60: {  	[sflag:s24] =	ssyncset.done $0x0  }
0x61: {  	[sflag:s24] =	ssyncadd.s32 $0xFFFFF000  }
0x62: {  	[tilespmem:s26], [sflag:$0x1] =	stream.indirect.gather [spmem:s1], $0x40, s22, s29, $0xb8;
	[tilespmem:$0x1E040] =	vst v63  }
0x63: {  	_ = 	snop  }
0x64: {  	[tilespmem:s30], [sflag:$0x2] =	stream.indirect.gather [spmem:s1], $0x40, s29, s29, $0xb8;
	[tilespmem:$0x1E040] =	vst v63  }
0x65: {  	_ = 	snop  }
0x66: {  	[tilespmem:s0], [sflag:$0x3] =	stream.indirect.gather [spmem:s1], $0x40, s31, s29, $0xb8;
	[tilespmem:$0x1E040] =	vst v63  }
0x67: {  	_ = 	snop  }
0x68: {  	[tilespmem:s4], [sflag:$0x4] =	stream.indirect.gather [spmem:s1], $0x40, s3, s29, $0xb8;
	[tilespmem:$0x1E040] =	vst v63  }
0x69: {  	_ =	swait.ge [sflag:s23], $0x2000  }
0x6a: {  	[sflag:s23] =	ssyncset.done $0x0  }
0x6b: {  	s21 =	simm.s32 $0x1000;
	[sflag:s23] =	ssyncadd.s32 $0xFFFFE000  }
0x6c: {  	[spmem:s2] =	stream.indirect.scatter.add.f32 [tilespmem:s26], [sflag:$0x5], $0x40, s21, s29, $0xb8;
	[tilespmem:$0x1E040] =	vst v63  }
0x6d: {  	_ =	swait.ge [sflag:s7], $0x2000  }
0x6e: {  	[sflag:s7] =	ssyncset.done $0x0  }
0x6f: {  	s19 =	simm.s32 $0x1080;
	[sflag:s7] =	ssyncadd.s32 $0xFFFFE000  }
0x70: {  	[spmem:s2] =	stream.indirect.scatter.add.f32 [tilespmem:s30], [sflag:$0x6], $0x40, s19, s29, $0xb8;
	[tilespmem:$0x1E040] =	vst v63  }
0x71: {  	_ =	swait.ge [sflag:s8], $0x2000  }
0x72: {  	[sflag:s8] =	ssyncset.done $0x0  }
0x73: {  	s21 =	simm.s32 $0x1100;
	[sflag:s8] =	ssyncadd.s32 $0xFFFFE000  }
0x74: {  	[spmem:s2] =	stream.indirect.scatter.add.f32 [tilespmem:s0], [sflag:$0x7], $0x40, s21, s29, $0xb8;
	[tilespmem:$0x1E040] =	vst v63  }
0x75: {  	_ =	swait.ge [sflag:s9], $0x2000  }
0x76: {  	[sflag:s9] =	ssyncset.done $0x0  }
0x77: {  	s19 =	simm.s32 $0x1180;
	[sflag:s9] =	ssyncadd.s32 $0xFFFFE000  }
0x78: {  	[spmem:s2] =	stream.indirect.scatter.add.f32 [tilespmem:s4], [sflag:$0x8], $0x40, s19, s29, $0xb8;
	[tilespmem:$0x1E040] =	vst v63  }
0x79: {  	_ =	swait.ge [sflag:s11], $0x2000  }
0x7a: {  	[sflag:s11] =	ssyncset.done $0x0  }
0x7b: {  	s21 =	simm.s32 $0x200;
	[sflag:s11] =	ssyncadd.s32 $0xFFFFE000  }
0x7c: {  	[tilespmem:s26], [sflag:$0x1] =	stream.indirect.gather [spmem:s1], $0x40, s21, s29, $0xb8;
	[tilespmem:$0x1E040] =	vst v63  }
0x7d: {  	_ =	swait.ge [sflag:s12], $0x2000  }
0x7e: {  	[sflag:s12] =	ssyncset.done $0x0  }
0x7f: {  	s19 =	simm.s32 $0x280;
	[sflag:s12] =	ssyncadd.s32 $0xFFFFE000  }
0x80: {  	[tilespmem:s30], [sflag:$0x2] =	stream.indirect.gather [spmem:s1], $0x40, s19, s29, $0xb8;
	[tilespmem:$0x1E040] =	vst v63  }
0x81: {  	_ =	swait.ge [sflag:s13], $0x2000  }
0x82: {  	[sflag:s13] =	ssyncset.done $0x0  }
0x83: {  	s21 =	simm.s32 $0x300;
	[sflag:s13] =	ssyncadd.s32 $0xFFFFE000  }
0x84: {  	[tilespmem:s0], [sflag:$0x3] =	stream.indirect.gather [spmem:s1], $0x40, s21, s29, $0xb8;
	[tilespmem:$0x1E040] =	vst v63  }
0x85: {  	_ =	swait.ge [sflag:s14], $0x2000  }
0x86: {  	[sflag:s14] =	ssyncset.done $0x0  }
0x87: {  	s10 =	simm.s32 $0x380;
	s19 =	simm.s32 $0x800;
	[sflag:s14] =	ssyncadd.s32 $0xFFFFE000  }
.LBB2_5:
0x88: {  	[tilespmem:s4], [sflag:$0x4] =	stream.indirect.gather [spmem:s1], $0x40, s10, s29, $0xb8;
	[tilespmem:$0x1E040] =	vst v63  }
0x89: {  	s10 =	smov.u32 s19  }
0x8a: {  	p1 =	sne.s32 s19, $0x3000;
	s19 =	sadd.s32 $0x800, s19;
	_ =	swait.ge [sflag:s23], $0x2000  }
0x8b: {  	s10 =	sshra.s32 s10, $0x2;
	[sflag:s23] =	ssyncset.done $0x0  }
0x8c: {  	s21 =	sadd.s32 $0x1000, s10;
	[sflag:s23] =	ssyncadd.s32 $0xFFFFE000  }
0x8d: {  	[spmem:s2] =	stream.indirect.scatter.add.f32 [tilespmem:s26], [sflag:$0x5], $0x40, s21, s29, $0xb8;
	[tilespmem:$0x1E040] =	vst v63  }
0x8e: {  	_ =	swait.ge [sflag:s7], $0x2000  }
0x8f: {  	[sflag:s7] =	ssyncset.done $0x0  }
0x90: {  	s21 =	sadd.s32 $0x1080, s10;
	[sflag:s7] =	ssyncadd.s32 $0xFFFFE000  }
0x91: {  	[spmem:s2] =	stream.indirect.scatter.add.f32 [tilespmem:s30], [sflag:$0x6], $0x40, s21, s29, $0xb8;
	[tilespmem:$0x1E040] =	vst v63  }
0x92: {  	_ =	swait.ge [sflag:s8], $0x2000  }
0x93: {  	[sflag:s8] =	ssyncset.done $0x0  }
0x94: {  	s21 =	sadd.s32 $0x1100, s10;
	[sflag:s8] =	ssyncadd.s32 $0xFFFFE000  }
0x95: {  	[spmem:s2] =	stream.indirect.scatter.add.f32 [tilespmem:s0], [sflag:$0x7], $0x40, s21, s29, $0xb8;
	[tilespmem:$0x1E040] =	vst v63  }
0x96: {  	_ =	swait.ge [sflag:s9], $0x2000  }
0x97: {  	[sflag:s9] =	ssyncset.done $0x0  }
0x98: {  	s21 =	sadd.s32 $0x1180, s10;
	[sflag:s9] =	ssyncadd.s32 $0xFFFFE000  }
0x99: {  	[spmem:s2] =	stream.indirect.scatter.add.f32 [tilespmem:s4], [sflag:$0x8], $0x40, s21, s29, $0xb8;
	[tilespmem:$0x1E040] =	vst v63  }
0x9a: {  	_ =	swait.ge [sflag:s11], $0x2000  }
0x9b: {  	[sflag:s11] =	ssyncset.done $0x0  }
0x9c: {  	s21 =	sadd.s32 $0x200, s10;
	[sflag:s11] =	ssyncadd.s32 $0xFFFFE000  }
0x9d: {  	[tilespmem:s26], [sflag:$0x1] =	stream.indirect.gather [spmem:s1], $0x40, s21, s29, $0xb8;
	[tilespmem:$0x1E040] =	vst v63  }
0x9e: {  	_ =	swait.ge [sflag:s12], $0x2000  }
0x9f: {  	[sflag:s12] =	ssyncset.done $0x0  }
0xa0: {  	s21 =	sadd.s32 $0x280, s10;
	[sflag:s12] =	ssyncadd.s32 $0xFFFFE000  }
0xa1: {  	[tilespmem:s30], [sflag:$0x2] =	stream.indirect.gather [spmem:s1], $0x40, s21, s29, $0xb8;
	[tilespmem:$0x1E040] =	vst v63  }
0xa2: {  	_ =	swait.ge [sflag:s13], $0x2000  }
0xa3: {  	[sflag:s13] =	ssyncset.done $0x0  }
.Ltmp1:
0xa4: {  	s21 =	sadd.s32 $0x300, s10;
	[sflag:s13] =	ssyncadd.s32 $0xFFFFE000;
	(pc) =	sbr.rel @p1 .LBB2_5-.Ltmp1, $4  }
0xa5: {  	[tilespmem:s0], [sflag:$0x3] =	stream.indirect.gather [spmem:s1], $0x40, s21, s29, $0xb8;
	[tilespmem:$0x1E040] =	vst v63  }
0xa6: {  	_ =	swait.ge [sflag:s14], $0x2000  }
0xa7: {  	[sflag:s14] =	ssyncset.done $0x0  }
0xa8: {  	s10 =	sadd.s32 $0x380, s10;
	[sflag:s14] =	ssyncadd.s32 $0xFFFFE000  }
0xa9: {  	[tilespmem:s4], [sflag:$0x4] =	stream.indirect.gather [spmem:s1], $0x40, s10, s29, $0xb8;
	[tilespmem:$0x1E040] =	vst v63  }
0xaa: {  	_ =	swait.ge [sflag:s23], $0x2000  }
0xab: {  	[sflag:s23] =	ssyncset.done $0x0  }
0xac: {  	[sflag:s23] =	ssyncadd.s32 $0xFFFFE000  }
0xad: {  	[spmem:s2] =	stream.indirect.scatter.add.f32 [tilespmem:s26], [sflag:$0x5], $0x40, s16, s29, $0xb8;
	[tilespmem:$0x1E040] =	vst v63  }
0xae: {  	_ =	swait.ge [sflag:s7], $0x2000  }
0xaf: {  	[sflag:s7] =	ssyncset.done $0x0  }
0xb0: {  	[sflag:s7] =	ssyncadd.s32 $0xFFFFE000  }
0xb1: {  	[spmem:s2] =	stream.indirect.scatter.add.f32 [tilespmem:s30], [sflag:$0x6], $0x40, s17, s29, $0xb8;
	[tilespmem:$0x1E040] =	vst v63  }
0xb2: {  	_ =	swait.ge [sflag:s8], $0x2000  }
0xb3: {  	[sflag:s8] =	ssyncset.done $0x0  }
0xb4: {  	[sflag:s8] =	ssyncadd.s32 $0xFFFFE000  }
0xb5: {  	[spmem:s2] =	stream.indirect.scatter.add.f32 [tilespmem:s0], [sflag:$0x7], $0x40, s18, s29, $0xb8;
	[tilespmem:$0x1E040] =	vst v63  }
0xb6: {  	_ =	swait.ge [sflag:s9], $0x2000  }
0xb7: {  	[sflag:s9] =	ssyncset.done $0x0  }
0xb8: {  	[sflag:s9] =	ssyncadd.s32 $0xFFFFE000  }
0xb9: {  	[spmem:s2] =	stream.indirect.scatter.add.f32 [tilespmem:s4], [sflag:$0x8], $0x40, s20, s29, $0xb8;
	[tilespmem:$0x1E040] =	vst v63  }
0xba: {  	_ =	swait.ge [sflag:s11], $0x2000  }
0xbb: {  	[sflag:s11] =	ssyncset.done $0x0  }
0xbc: {  	[sflag:s11] =	ssyncadd.s32 $0xFFFFE000  }
0xbd: {  	_ =	swait.ge [sflag:s12], $0x2000  }
0xbe: {  	[sflag:s12] =	ssyncset.done $0x0  }
0xbf: {  	s25 =	sadd.s32 $0x1, s25;
	[sflag:s12] =	ssyncadd.s32 $0xFFFFE000  }
0xc0: {  	p1 =	sne.s32 s25, $0x5;
	_ =	swait.ge [sflag:s13], $0x2000  }
.Ltmp2:
0xc1: {  	[sflag:s13] =	ssyncset.done $0x0;
	(pc) =	sbr.rel @p1 .LBB2_4-.Ltmp2, $4  }
0xc2: {  	[sflag:s13] =	ssyncadd.s32 $0xFFFFE000  }
0xc3: {  	_ =	swait.ge [sflag:s14], $0x2000  }
0xc4: {  	[sflag:s14] =	ssyncset.done $0x0  }
0xc5: {  	[sflag:s14] =	ssyncadd.s32 $0xFFFFE000  }
0xc6: {  	[bflag:$0x0] =	sbarrier.arrive $0xFFFF  }
0xc7: {  	s28 =	simm.s32 @p0 $0x8;
	s22 =	simm.s32 @p0 $0x1FC9;
	s25 =	rddreg [dreg:$0xf]  }
0xc8: {  	s19 =	simm.s32 @p0 $0x1;
	s21 =	simm.s32 @p0 $0x10;
	s10 =	rddreg [dreg:$0x15]  }
0xc9: {  	[hbm:s25@s21], [sflag:s22] =	dma.strided @p0 [spmem:s10@s28], $0xC80, s19, $0x8   }
0xca: {  	s10 =	simm.s32 @p0 $0x9  }
0xcb: {  	s28 =	simm.s32 @!p0 $0x10;
	_ =	swait.ge @p0 [sflag:s10], $0xC80  }
0xcc: {  	s25 =	simm.s32 @!p0 $0x8;
	[sflag:s10] =	ssyncset.done @p0 $0x0;
	s19 =	rddreg [dreg:$0x9]  }
0xcd: {  	s22 =	simm.s32 @!p0 $0x1;
	[sflag:s10] =	ssyncadd.s32 @p0 $0xFFFFF380;
	s10 =	rddreg [dreg:$0x11]  }
0xce: {  	s21 =	rddreg [dreg:$0xe];
	s19 =	sshrl.u32 @!p0 s19, $0x3;
	s10 =	sor.u32 @!p0 $0x1C09, s10  }
0xcf: {  	[hbm:s21@s28], [sflag:s10] =	dma.strided @!p0 [spmem:s19@s25], $0x1400, s22, $0x8   }
0xd0: {  	s10 =	simm.s32 @!p0 $0x9  }
0xd1: {  	_ =	swait.ge @!p0 [sflag:s10], $0x1400  }
0xd2: {  	s25 =	rddreg [dreg:$0x16]  }
0xd3: {  	s28 =	rddreg [dreg:$0x10];
	s21 =	sadd.s32 $0x1, s25  }
0xd4: {  	p1 =	sne.s32 s21, s28  }
.Ltmp3:
0xd5: {  	_ = 	snop;
	(pc) =	sbr.rel @p1 .LBB2_1-.Ltmp3, $3  }
0xd6: {  	_ =	sdelay $0x1  }
0xd7: {  	[sflag:s10] =	ssyncset.done @!p0 $0x0  }
0xd8: {  	[sflag:s10] =	ssyncadd.s32 @!p0 $0xFFFFEC00  }
0xd9: {  	_ =	sfence.sel $0x180000  }
0xda: {  	[bflag:$0x0] =	sbarrier.arrive $0xFFFF  }
0xdb: {  	_ =	strace $0x9000004A  }
0xdc: {  	s0 =	stileid.u32;
	[bflag:$0x2] =	sbarrier.arrive $0xFFFF  }
0xdd: {  	p0 =	sne.s32 s0, $0x0;
	s0 =	rddreg [dreg:$0x5]  }
0xde: {  	s0 =	sadd.s32 @!p0 $0x100000, s0  }
0xdf: {  	[sflag:s0] =	ssyncadd.tile.s32 @!p0 $0x1;
	_ =	shalt  }
.Lfunc_end2:
_tile_overlayer_lowered:
.L_overlay_start_2:
0xe0: {  	(tag) =	ssettag $0x2  }
0xe1: {  	s0 =	rddreg [dreg:$0x0];
	s2 =	stileid.u32  }
0xe2: {  	s1 =	rddreg [dreg:$0x1];
	p0 =	sne.s32 s2, $0x0  }
0xe3: {  	s3 =	rddreg [dreg:$0x2];
	[bflag:$0x3] =	sbarrier.arrive $0xFFFF;
	s2 =	simm.s32 @!p0 $0x1C09  }
0xe4: {  	[timem:s3], [sflag:s2] =	dma.local @!p0 [hbm:s0], s1  }
0xe5: {  	s0 =	simm.s32 @!p0 $0x9  }
0xe6: {  	_ =	swait.ge @!p0 [sflag:s0], s1  }
0xe7: {  	s1 =	ssub.s32 @!p0 $0x0, s1;
	[sflag:s0] =	ssyncset.done @!p0 $0x0  }
0xe8: {  	[sflag:s0] =	ssyncadd.s32 @!p0 s1  }
0xe9: {  	[bflag:$0x3] =	sbarrier.arrive $0xFFFF  }
0xea: {  	_ =	shalt  }

</sc_bundles>
